<compile_context>
chip_gen: v7x
topology: tpu7x:2x2x1
jax: 0.10.2.dev20260603
libtpu: 0.0.44.dev20260713+nightly
codegen_flags: <defaults>
</compile_context>

<pallas_src>
import functools

import jax
import jax.numpy as jnp
from jax import lax
from jax.experimental import pallas as pl
from jax.experimental.pallas import tpu as pltpu
from jax.experimental.pallas import tpu_sc as plsc

_info = plsc.get_sparse_core_info()
_NC = _info.num_cores
_NS = _info.num_subcores
_NW = _NC * _NS

_CHUNK = 16
_NBUF = 6


@functools.cache
def _make_gather(bsz, s, v, d):
    n = bsz * s
    per_w = n // _NW
    wpb = _NW // bsz
    n_chunks = per_w // _CHUNK
    n_groups = -(-n_chunks // _NBUF)
    assert per_w * _NW == n and n_chunks * _CHUNK == per_w
    assert wpb * bsz == _NW and n_chunks >= _NBUF
    mesh = plsc.VectorSubcoreMesh(core_axis_name="c", subcore_axis_name="s")

    @functools.partial(
        pl.kernel,
        mesh=mesh,
        out_type=jax.ShapeDtypeStruct((bsz, s, d), jnp.float32),
        scratch_types=[
            pltpu.VMEM((per_w,), jnp.int32),
            pltpu.VMEM((_NBUF, _CHUNK, 1, d), jnp.float32),
        ]
        + [pltpu.SemaphoreType.DMA] * (2 * _NBUF),
    )
    def gather(x_hbm, pe_hbm, out_hbm, idx_v, rows_v, *sems):
        gsems = sems[:_NBUF]
        osems = sems[_NBUF:]
        wid = lax.axis_index("s") * _NC + lax.axis_index("c")
        brow = wid // wpb
        base = (wid % wpb) * per_w
        pltpu.sync_copy(x_hbm.at[brow, pl.ds(base, per_w)], idx_v)

        def g_start(c, b):
            pltpu.async_copy(
                pe_hbm.at[idx_v.at[pl.ds(c * _CHUNK, _CHUNK)]],
                rows_v.at[b],
                gsems[b],
            )

        def g_wait(c, b):
            pltpu.make_async_copy(
                pe_hbm.at[idx_v.at[pl.ds(c * _CHUNK, _CHUNK)]],
                rows_v.at[b],
                gsems[b],
            ).wait()

        def o_start(c, b):
            pltpu.async_copy(
                rows_v.at[b, :, 0],
                out_hbm.at[brow, pl.ds(base + c * _CHUNK, _CHUNK)],
                osems[b],
            )

        def o_wait(c, b):
            pltpu.make_async_copy(
                rows_v.at[b, :, 0],
                out_hbm.at[brow, pl.ds(base + c * _CHUNK, _CHUNK)],
                osems[b],
            ).wait()

        for b in range(_NBUF):
            g_start(b, b)

        def body(g, carry):
            for b in range(_NBUF):
                c = g * _NBUF + b

                @pl.when(c < n_chunks)
                def _():
                    g_wait(c, b)
                    o_start(c, b)
                    o_wait(c, b)

                @pl.when(c + _NBUF < n_chunks)
                def _():
                    g_start(c + _NBUF, b)

            return carry

        lax.fori_loop(0, n_groups, body, 0)

    return gather


def kernel(x, pe):
    b, s = x.shape
    v, _, d = pe.shape
    return _make_gather(b, s, v, d)(x.astype(jnp.int32), pe)

# --- scband reference (transcript-rebuilt; emitter-appended) ---
"""Pipeline reference for scband-positional-encoding-10368051052562 (READ-ONLY COPY).

The authoritative reference and input builder live on the scoring server;
editing this copy changes nothing except your own understanding.
"""

import jax, jax.numpy as jnp
import numpy as np
import math

L = 8192   # max_trial_length
D = 1024   # n_state
B = 4
S = 8192

def _build_pe():
    position = np.arange(0, L, dtype=np.float32)[:, None]
    div_term = np.exp(np.arange(0, D, 2, dtype=np.float32) * (-math.log(10000.0) / D))
    pe = np.zeros((L, D), dtype=np.float32)
    pe[:, 0::2] = np.sin(position * div_term)
    pe[:, 1::2] = np.cos(position * div_term)
    return jnp.asarray(pe[:, None, :])  # [L, 1, D], matches pe.unsqueeze(1)

def setup_inputs(seed: int = 0) -> dict:
    key = jax.random.key(seed)
    x = jax.random.randint(key, (B, S), 0, L)
    pe = _build_pe()  # learnable parameter (learnable_position=True)
    return {"x": x, "pe": pe}

def reference(x, pe):
    # input_times=True path: pos_embed = self.pe[x].squeeze(2)
    # pe: [L, 1, D]; pe[x]: [B, S, 1, D]; squeeze axis 2 -> [B, S, D]
    pos_embed = jnp.take(pe, x, axis=0)
    return jnp.squeeze(pos_embed, axis=2)

if __name__ == "__main__":
    import jax
    _d = setup_inputs()
    print(jax.jit(kernel)(*tuple(_d.values())))

</pallas_src>

<mosaic_0001>
#map = affine_map<(d0, d1) -> (0, 0)>
#map1 = affine_map<(d0, d1) -> (0, 0, 0)>
module attributes {stable_mosaic.version = 14 : i64} {
  func.func @gather(%arg0: i32, %arg1: i32, %arg2: memref<4x8192xi32, #tpu.memory_space<hbm>>, %arg3: memref<8192x1x1024xf32, #tpu.memory_space<hbm>>, %arg4: memref<4x8192x1024xf32, #tpu.memory_space<hbm>>, %arg5: memref<1024xi32, #tpu.memory_space<vmem>>, %arg6: memref<6x16x1x1024xf32, #tpu.memory_space<vmem>>, %arg7: memref<!tpu.dma_semaphore, #tpu.memory_space<semaphore_mem>>, %arg8: memref<!tpu.dma_semaphore, #tpu.memory_space<semaphore_mem>>, %arg9: memref<!tpu.dma_semaphore, #tpu.memory_space<semaphore_mem>>, %arg10: memref<!tpu.dma_semaphore, #tpu.memory_space<semaphore_mem>>, %arg11: memref<!tpu.dma_semaphore, #tpu.memory_space<semaphore_mem>>, %arg12: memref<!tpu.dma_semaphore, #tpu.memory_space<semaphore_mem>>, %arg13: memref<!tpu.dma_semaphore, #tpu.memory_space<semaphore_mem>>, %arg14: memref<!tpu.dma_semaphore, #tpu.memory_space<semaphore_mem>>, %arg15: memref<!tpu.dma_semaphore, #tpu.memory_space<semaphore_mem>>, %arg16: memref<!tpu.dma_semaphore, #tpu.memory_space<semaphore_mem>>, %arg17: memref<!tpu.dma_semaphore, #tpu.memory_space<semaphore_mem>>, %arg18: memref<!tpu.dma_semaphore, #tpu.memory_space<semaphore_mem>>) attributes {dimension_semantics = [#tpu.dimension_semantics<core_parallel>, #tpu.dimension_semantics<subcore_parallel>], iteration_bounds = array<i64: 2, 16>, scalar_prefetch = 0 : i64, scratch_operands = 14 : i64, tpu.core_type = #tpu.core_type<sc_vector_subcore>, window_params = [{transform_indices = #map}, {transform_indices = #map1}, {transform_indices = #map1}]} {
    %mul3A = arith.constant 2 : i32
    %mul3A_0 = arith.muli %arg1, %mul3A : i32
    %add3A = arith.addi %mul3A_0, %arg0 : i32
    %jit3A = arith.constant 8 : i32
    %div3A = arith.divsi %add3A, %jit3A : i32
    %sign3A = arith.constant 0 : i32
    %sign3A_1 = arith.cmpi sgt, %add3A, %sign3A : i32
    %sign3A_2 = arith.extui %sign3A_1 : i1 to i32
    %sign3A_3 = arith.constant 0 : i32
    %sign3A_4 = arith.cmpi slt, %add3A, %sign3A_3 : i32
    %sign3A_5 = arith.extui %sign3A_4 : i1 to i32
    %sign3A_6 = arith.subi %sign3A_2, %sign3A_5 : i32
    %sign3A_7 = arith.constant 0 : i32
    %sign3A_8 = arith.cmpi sgt, %jit3A, %sign3A_7 : i32
    %sign3A_9 = arith.extui %sign3A_8 : i1 to i32
    %sign3A_10 = arith.constant 0 : i32
    %sign3A_11 = arith.cmpi slt, %jit3A, %sign3A_10 : i32
    %sign3A_12 = arith.extui %sign3A_11 : i1 to i32
    %sign3A_13 = arith.subi %sign3A_9, %sign3A_12 : i32
    %ne3A = arith.cmpi ne, %sign3A_6, %sign3A_13 : i32
    %rem3A = arith.remsi %add3A, %jit3A : i32
    %ne3A_14 = arith.constant 0 : i32
    %ne3A_15 = arith.cmpi ne, %rem3A, %ne3A_14 : i32
    %and3A = arith.andi %ne3A, %ne3A_15 : i1
    %sub3A = arith.constant 1 : i32
    %sub3A_16 = arith.subi %div3A, %sub3A : i32
    %select_n3A = arith.select %and3A, %sub3A_16, %div3A : i32
    %jit3A_17 = arith.constant 8 : i32
    %eq3A = arith.constant 0 : i32
    %eq3A_18 = arith.cmpi eq, %jit3A_17, %eq3A : i32
    %jit3A_19 = arith.constant 1 : i32
    %select_n3A_20 = arith.select %eq3A_18, %jit3A_19, %jit3A_17 : i32
    %rem3A_21 = arith.remsi %add3A, %select_n3A_20 : i32
    %ne3A_22 = arith.constant 0 : i32
    %ne3A_23 = arith.cmpi ne, %rem3A_21, %ne3A_22 : i32
    %lt3A = arith.constant 0 : i32
    %lt3A_24 = arith.cmpi slt, %rem3A_21, %lt3A : i32
    %lt3A_25 = arith.constant 0 : i32
    %lt3A_26 = arith.cmpi slt, %select_n3A_20, %lt3A_25 : i32
    %ne3A_27 = arith.xori %lt3A_24, %lt3A_26 : i1
    %and3A_28 = arith.andi %ne3A_27, %ne3A_23 : i1
    %add3A_29 = arith.addi %rem3A_21, %select_n3A_20 : i32
    %select_n3A_30 = arith.select %and3A_28, %add3A_29, %rem3A_21 : i32
    %mul3A_31 = arith.constant 1024 : i32
    %mul3A_32 = arith.muli %select_n3A_30, %mul3A_31 : i32
    "tpu.region"() ({
      %run_scoped3A = tpu.sem_alloc : memref<!tpu.dma_semaphore, #tpu.memory_space<semaphore_mem>>
      %dma_start3A_109 = tpu.memref_slice %arg2[%select_n3A, %mul3A_32] : memref<4x8192xi32, #tpu.memory_space<hbm>> -> memref<1x1024xi32, #tpu.memory_space<hbm>>
      %dma_start3A_110 = tpu.memref_squeeze %dma_start3A_109 : memref<1x1024xi32, #tpu.memory_space<hbm>> -> memref<1024xi32, #tpu.memory_space<hbm>>
      %dma_start3A_111 = tpu.memref_slice %arg2[%select_n3A, %mul3A_32] : memref<4x8192xi32, #tpu.memory_space<hbm>> -> memref<1x1024xi32, #tpu.memory_space<hbm>>
      %dma_start3A_112 = tpu.memref_squeeze %dma_start3A_111 : memref<1x1024xi32, #tpu.memory_space<hbm>> -> memref<1024xi32, #tpu.memory_space<hbm>>
      tpu.enqueue_dma source(%dma_start3A_112 : memref<1024xi32, #tpu.memory_space<hbm>>) target(%arg5 : memref<1024xi32, #tpu.memory_space<vmem>>) target_semaphore(%run_scoped3A : memref<!tpu.dma_semaphore, #tpu.memory_space<semaphore_mem>>)
      %dma_wait3A = tpu.memref_slice %arg2[%select_n3A, %mul3A_32] : memref<4x8192xi32, #tpu.memory_space<hbm>> -> memref<1x1024xi32, #tpu.memory_space<hbm>>
      %dma_wait3A_113 = tpu.memref_squeeze %dma_wait3A : memref<1x1024xi32, #tpu.memory_space<hbm>> -> memref<1024xi32, #tpu.memory_space<hbm>>
      %dma_wait3A_114 = tpu.memref_slice %arg2[%select_n3A, %mul3A_32] : memref<4x8192xi32, #tpu.memory_space<hbm>> -> memref<1x1024xi32, #tpu.memory_space<hbm>>
      %dma_wait3A_115 = tpu.memref_squeeze %dma_wait3A_114 : memref<1x1024xi32, #tpu.memory_space<hbm>> -> memref<1024xi32, #tpu.memory_space<hbm>>
      tpu.wait_dma2 semaphore(%run_scoped3A : memref<!tpu.dma_semaphore, #tpu.memory_space<semaphore_mem>>) src(%dma_wait3A_115 : memref<1024xi32, #tpu.memory_space<hbm>>) dst(%arg5 : memref<1024xi32, #tpu.memory_space<vmem>>)
      tpu.yield
    }) : () -> ()
    %dma_start3A = arith.constant 0 : i32
    %dma_start3A_33 = arith.constant 0 : i32
    %dma_start3A_34 = arith.constant 0 : i32
    %dma_start3A_35 = arith.constant 0 : i32
    %dma_start3A_36 = tpu.memref_slice %arg6[%dma_start3A, %dma_start3A_33, %dma_start3A_34, %dma_start3A_35] : memref<6x16x1x1024xf32, #tpu.memory_space<vmem>> -> memref<1x16x1x1024xf32, #tpu.memory_space<vmem>>
    %dma_start3A_37 = tpu.memref_squeeze %dma_start3A_36 : memref<1x16x1x1024xf32, #tpu.memory_space<vmem>> -> memref<16x1x1024xf32, #tpu.memory_space<vmem>>
    %dma_start3A_38 = arith.constant 0 : i32
    %dma_start3A_39 = tpu.memref_slice %arg5[%dma_start3A_38] : memref<1024xi32, #tpu.memory_space<vmem>> -> memref<16xi32, #tpu.memory_space<vmem>>
    %dma_start3A_40 = arith.constant 0 : i32
    %dma_start3A_41 = arith.constant 0 : i32
    %dma_start3A_42 = arith.constant 0 : i32
    %dma_start3A_43 = tpu.memref_slice %arg3[%dma_start3A_40, %dma_start3A_41, %dma_start3A_42] : memref<8192x1x1024xf32, #tpu.memory_space<hbm>> -> memref<8192x1x1024xf32, #tpu.memory_space<hbm>>
    tpu.enqueue_indirect_dma source(%dma_start3A_43 : memref<8192x1x1024xf32, #tpu.memory_space<hbm>>) target(%dma_start3A_37 : memref<16x1x1024xf32, #tpu.memory_space<vmem>>) offsets(%dma_start3A_39 : memref<16xi32, #tpu.memory_space<vmem>>) semaphore(%arg7 : memref<!tpu.dma_semaphore, #tpu.memory_space<semaphore_mem>>)
    %dma_start3A_44 = arith.constant 1 : i32
    %dma_start3A_45 = arith.constant 0 : i32
    %dma_start3A_46 = arith.constant 0 : i32
    %dma_start3A_47 = arith.constant 0 : i32
    %dma_start3A_48 = tpu.memref_slice %arg6[%dma_start3A_44, %dma_start3A_45, %dma_start3A_46, %dma_start3A_47] : memref<6x16x1x1024xf32, #tpu.memory_space<vmem>> -> memref<1x16x1x1024xf32, #tpu.memory_space<vmem>>
    %dma_start3A_49 = tpu.memref_squeeze %dma_start3A_48 : memref<1x16x1x1024xf32, #tpu.memory_space<vmem>> -> memref<16x1x1024xf32, #tpu.memory_space<vmem>>
    %dma_start3A_50 = arith.constant 16 : i32
    %dma_start3A_51 = tpu.memref_slice %arg5[%dma_start3A_50] : memref<1024xi32, #tpu.memory_space<vmem>> -> memref<16xi32, #tpu.memory_space<vmem>>
    %dma_start3A_52 = arith.constant 0 : i32
    %dma_start3A_53 = arith.constant 0 : i32
    %dma_start3A_54 = arith.constant 0 : i32
    %dma_start3A_55 = tpu.memref_slice %arg3[%dma_start3A_52, %dma_start3A_53, %dma_start3A_54] : memref<8192x1x1024xf32, #tpu.memory_space<hbm>> -> memref<8192x1x1024xf32, #tpu.memory_space<hbm>>
    tpu.enqueue_indirect_dma source(%dma_start3A_55 : memref<8192x1x1024xf32, #tpu.memory_space<hbm>>) target(%dma_start3A_49 : memref<16x1x1024xf32, #tpu.memory_space<vmem>>) offsets(%dma_start3A_51 : memref<16xi32, #tpu.memory_space<vmem>>) semaphore(%arg8 : memref<!tpu.dma_semaphore, #tpu.memory_space<semaphore_mem>>)
    %dma_start3A_56 = arith.constant 2 : i32
    %dma_start3A_57 = arith.constant 0 : i32
    %dma_start3A_58 = arith.constant 0 : i32
    %dma_start3A_59 = arith.constant 0 : i32
    %dma_start3A_60 = tpu.memref_slice %arg6[%dma_start3A_56, %dma_start3A_57, %dma_start3A_58, %dma_start3A_59] : memref<6x16x1x1024xf32, #tpu.memory_space<vmem>> -> memref<1x16x1x1024xf32, #tpu.memory_space<vmem>>
    %dma_start3A_61 = tpu.memref_squeeze %dma_start3A_60 : memref<1x16x1x1024xf32, #tpu.memory_space<vmem>> -> memref<16x1x1024xf32, #tpu.memory_space<vmem>>
    %dma_start3A_62 = arith.constant 32 : i32
    %dma_start3A_63 = tpu.memref_slice %arg5[%dma_start3A_62] : memref<1024xi32, #tpu.memory_space<vmem>> -> memref<16xi32, #tpu.memory_space<vmem>>
    %dma_start3A_64 = arith.constant 0 : i32
    %dma_start3A_65 = arith.constant 0 : i32
    %dma_start3A_66 = arith.constant 0 : i32
    %dma_start3A_67 = tpu.memref_slice %arg3[%dma_start3A_64, %dma_start3A_65, %dma_start3A_66] : memref<8192x1x1024xf32, #tpu.memory_space<hbm>> -> memref<8192x1x1024xf32, #tpu.memory_space<hbm>>
    tpu.enqueue_indirect_dma source(%dma_start3A_67 : memref<8192x1x1024xf32, #tpu.memory_space<hbm>>) target(%dma_start3A_61 : memref<16x1x1024xf32, #tpu.memory_space<vmem>>) offsets(%dma_start3A_63 : memref<16xi32, #tpu.memory_space<vmem>>) semaphore(%arg9 : memref<!tpu.dma_semaphore, #tpu.memory_space<semaphore_mem>>)
    %dma_start3A_68 = arith.constant 3 : i32
    %dma_start3A_69 = arith.constant 0 : i32
    %dma_start3A_70 = arith.constant 0 : i32
    %dma_start3A_71 = arith.constant 0 : i32
    %dma_start3A_72 = tpu.memref_slice %arg6[%dma_start3A_68, %dma_start3A_69, %dma_start3A_70, %dma_start3A_71] : memref<6x16x1x1024xf32, #tpu.memory_space<vmem>> -> memref<1x16x1x1024xf32, #tpu.memory_space<vmem>>
    %dma_start3A_73 = tpu.memref_squeeze %dma_start3A_72 : memref<1x16x1x1024xf32, #tpu.memory_space<vmem>> -> memref<16x1x1024xf32, #tpu.memory_space<vmem>>
    %dma_start3A_74 = arith.constant 48 : i32
    %dma_start3A_75 = tpu.memref_slice %arg5[%dma_start3A_74] : memref<1024xi32, #tpu.memory_space<vmem>> -> memref<16xi32, #tpu.memory_space<vmem>>
    %dma_start3A_76 = arith.constant 0 : i32
    %dma_start3A_77 = arith.constant 0 : i32
    %dma_start3A_78 = arith.constant 0 : i32
    %dma_start3A_79 = tpu.memref_slice %arg3[%dma_start3A_76, %dma_start3A_77, %dma_start3A_78] : memref<8192x1x1024xf32, #tpu.memory_space<hbm>> -> memref<8192x1x1024xf32, #tpu.memory_space<hbm>>
    tpu.enqueue_indirect_dma source(%dma_start3A_79 : memref<8192x1x1024xf32, #tpu.memory_space<hbm>>) target(%dma_start3A_73 : memref<16x1x1024xf32, #tpu.memory_space<vmem>>) offsets(%dma_start3A_75 : memref<16xi32, #tpu.memory_space<vmem>>) semaphore(%arg10 : memref<!tpu.dma_semaphore, #tpu.memory_space<semaphore_mem>>)
    %dma_start3A_80 = arith.constant 4 : i32
    %dma_start3A_81 = arith.constant 0 : i32
    %dma_start3A_82 = arith.constant 0 : i32
    %dma_start3A_83 = arith.constant 0 : i32
    %dma_start3A_84 = tpu.memref_slice %arg6[%dma_start3A_80, %dma_start3A_81, %dma_start3A_82, %dma_start3A_83] : memref<6x16x1x1024xf32, #tpu.memory_space<vmem>> -> memref<1x16x1x1024xf32, #tpu.memory_space<vmem>>
    %dma_start3A_85 = tpu.memref_squeeze %dma_start3A_84 : memref<1x16x1x1024xf32, #tpu.memory_space<vmem>> -> memref<16x1x1024xf32, #tpu.memory_space<vmem>>
    %dma_start3A_86 = arith.constant 64 : i32
    %dma_start3A_87 = tpu.memref_slice %arg5[%dma_start3A_86] : memref<1024xi32, #tpu.memory_space<vmem>> -> memref<16xi32, #tpu.memory_space<vmem>>
    %dma_start3A_88 = arith.constant 0 : i32
    %dma_start3A_89 = arith.constant 0 : i32
    %dma_start3A_90 = arith.constant 0 : i32
    %dma_start3A_91 = tpu.memref_slice %arg3[%dma_start3A_88, %dma_start3A_89, %dma_start3A_90] : memref<8192x1x1024xf32, #tpu.memory_space<hbm>> -> memref<8192x1x1024xf32, #tpu.memory_space<hbm>>
    tpu.enqueue_indirect_dma source(%dma_start3A_91 : memref<8192x1x1024xf32, #tpu.memory_space<hbm>>) target(%dma_start3A_85 : memref<16x1x1024xf32, #tpu.memory_space<vmem>>) offsets(%dma_start3A_87 : memref<16xi32, #tpu.memory_space<vmem>>) semaphore(%arg11 : memref<!tpu.dma_semaphore, #tpu.memory_space<semaphore_mem>>)
    %dma_start3A_92 = arith.constant 5 : i32
    %dma_start3A_93 = arith.constant 0 : i32
    %dma_start3A_94 = arith.constant 0 : i32
    %dma_start3A_95 = arith.constant 0 : i32
    %dma_start3A_96 = tpu.memref_slice %arg6[%dma_start3A_92, %dma_start3A_93, %dma_start3A_94, %dma_start3A_95] : memref<6x16x1x1024xf32, #tpu.memory_space<vmem>> -> memref<1x16x1x1024xf32, #tpu.memory_space<vmem>>
    %dma_start3A_97 = tpu.memref_squeeze %dma_start3A_96 : memref<1x16x1x1024xf32, #tpu.memory_space<vmem>> -> memref<16x1x1024xf32, #tpu.memory_space<vmem>>
    %dma_start3A_98 = arith.constant 80 : i32
    %dma_start3A_99 = tpu.memref_slice %arg5[%dma_start3A_98] : memref<1024xi32, #tpu.memory_space<vmem>> -> memref<16xi32, #tpu.memory_space<vmem>>
    %dma_start3A_100 = arith.constant 0 : i32
    %dma_start3A_101 = arith.constant 0 : i32
    %dma_start3A_102 = arith.constant 0 : i32
    %dma_start3A_103 = tpu.memref_slice %arg3[%dma_start3A_100, %dma_start3A_101, %dma_start3A_102] : memref<8192x1x1024xf32, #tpu.memory_space<hbm>> -> memref<8192x1x1024xf32, #tpu.memory_space<hbm>>
    tpu.enqueue_indirect_dma source(%dma_start3A_103 : memref<8192x1x1024xf32, #tpu.memory_space<hbm>>) target(%dma_start3A_97 : memref<16x1x1024xf32, #tpu.memory_space<vmem>>) offsets(%dma_start3A_99 : memref<16xi32, #tpu.memory_space<vmem>>) semaphore(%arg12 : memref<!tpu.dma_semaphore, #tpu.memory_space<semaphore_mem>>)
    %scan3A = arith.constant 0 : i32
    %scan3A_104 = arith.constant 0 : i32
    %scan3A_105 = arith.constant 11 : i32
    %scan3A_106 = arith.addi %scan3A_104, %scan3A_105 : i32
    %scan3A_107 = arith.constant 1 : i32
    scf.for %scan3A_109 = %scan3A_104 to %scan3A_106 step %scan3A_107  : i32 {
      %mul3A_110 = arith.constant 6 : i32
      %mul3A_111 = arith.muli %scan3A_109, %mul3A_110 : i32
      %add3A_112 = arith.constant 0 : i32
      %add3A_113 = arith.addi %mul3A_111, %add3A_112 : i32
      %lt3A_114 = arith.constant 64 : i32
      %lt3A_115 = arith.cmpi slt, %add3A_113, %lt3A_114 : i32
      %convert_element_type3A = arith.extui %lt3A_115 : i1 to i32
      %cond3A = arith.constant 0 : i32
      %cond3A_116 = arith.cmpi ne, %convert_element_type3A, %cond3A : i32
      scf.if %cond3A_116 {
        %mul3A_204 = arith.constant 16 : i32
        %mul3A_205 = arith.muli %add3A_113, %mul3A_204 : i32
        %dma_wait3A = arith.constant 0 : i32
        %dma_wait3A_206 = arith.constant 0 : i32
        %dma_wait3A_207 = arith.constant 0 : i32
        %dma_wait3A_208 = arith.constant 0 : i32
        %dma_wait3A_209 = tpu.memref_slice %arg6[%dma_wait3A, %dma_wait3A_206, %dma_wait3A_207, %dma_wait3A_208] : memref<6x16x1x1024xf32, #tpu.memory_space<vmem>> -> memref<1x16x1x1024xf32, #tpu.memory_space<vmem>>
        %dma_wait3A_210 = tpu.memref_squeeze %dma_wait3A_209 : memref<1x16x1x1024xf32, #tpu.memory_space<vmem>> -> memref<16x1x1024xf32, #tpu.memory_space<vmem>>
        %dma_wait3A_211 = tpu.memref_slice %arg5[%mul3A_205] : memref<1024xi32, #tpu.memory_space<vmem>> -> memref<16xi32, #tpu.memory_space<vmem>>
        %dma_wait3A_212 = arith.constant 0 : i32
        %dma_wait3A_213 = arith.constant 0 : i32
        %dma_wait3A_214 = arith.constant 0 : i32
        %dma_wait3A_215 = tpu.memref_slice %arg3[%dma_wait3A_212, %dma_wait3A_213, %dma_wait3A_214] : memref<8192x1x1024xf32, #tpu.memory_space<hbm>> -> memref<8192x1x1024xf32, #tpu.memory_space<hbm>>
        tpu.wait_indirect_dma semaphore(%arg7 : memref<!tpu.dma_semaphore, #tpu.memory_space<semaphore_mem>>) src(%dma_wait3A_215 : memref<8192x1x1024xf32, #tpu.memory_space<hbm>>) dst(%dma_wait3A_210 : memref<16x1x1024xf32, #tpu.memory_space<vmem>>)
        %mul3A_216 = arith.constant 16 : i32
        %mul3A_217 = arith.muli %add3A_113, %mul3A_216 : i32
        %add3A_218 = arith.addi %mul3A_32, %mul3A_217 : i32
        %dma_start3A_219 = arith.constant 0 : i32
        %dma_start3A_220 = arith.constant 0 : i32
        %dma_start3A_221 = arith.constant 0 : i32
        %dma_start3A_222 = arith.constant 0 : i32
        %dma_start3A_223 = tpu.memref_slice %arg6[%dma_start3A_219, %dma_start3A_221, %dma_start3A_220, %dma_start3A_222] : memref<6x16x1x1024xf32, #tpu.memory_space<vmem>> -> memref<1x16x1x1024xf32, #tpu.memory_space<vmem>>
        %dma_start3A_224 = tpu.memref_squeeze %dma_start3A_223 : memref<1x16x1x1024xf32, #tpu.memory_space<vmem>> -> memref<16x1024xf32, #tpu.memory_space<vmem>>
        %dma_start3A_225 = arith.constant 0 : i32
        %dma_start3A_226 = tpu.memref_slice %arg4[%select_n3A, %add3A_218, %dma_start3A_225] : memref<4x8192x1024xf32, #tpu.memory_space<hbm>> -> memref<1x16x1024xf32, #tpu.memory_space<hbm>>
        %dma_start3A_227 = tpu.memref_squeeze %dma_start3A_226 : memref<1x16x1024xf32, #tpu.memory_space<hbm>> -> memref<16x1024xf32, #tpu.memory_space<hbm>>
        %dma_start3A_228 = arith.constant 0 : i32
        %dma_start3A_229 = tpu.memref_slice %arg4[%select_n3A, %add3A_218, %dma_start3A_228] : memref<4x8192x1024xf32, #tpu.memory_space<hbm>> -> memref<1x16x1024xf32, #tpu.memory_space<hbm>>
        %dma_start3A_230 = tpu.memref_squeeze %dma_start3A_229 : memref<1x16x1024xf32, #tpu.memory_space<hbm>> -> memref<16x1024xf32, #tpu.memory_space<hbm>>
        %dma_start3A_231 = arith.constant 0 : i32
        %dma_start3A_232 = arith.constant 0 : i32
        %dma_start3A_233 = tpu.memref_slice %arg6[%dma_start3A_219, %dma_start3A_231, %dma_start3A_220, %dma_start3A_232] : memref<6x16x1x1024xf32, #tpu.memory_space<vmem>> -> memref<1x16x1x1024xf32, #tpu.memory_space<vmem>>
        %dma_start3A_234 = tpu.memref_squeeze %dma_start3A_233 : memref<1x16x1x1024xf32, #tpu.memory_space<vmem>> -> memref<16x1024xf32, #tpu.memory_space<vmem>>
        tpu.enqueue_dma source(%dma_start3A_234 : memref<16x1024xf32, #tpu.memory_space<vmem>>) target(%dma_start3A_230 : memref<16x1024xf32, #tpu.memory_space<hbm>>) target_semaphore(%arg13 : memref<!tpu.dma_semaphore, #tpu.memory_space<semaphore_mem>>)
        %mul3A_235 = arith.constant 16 : i32
        %mul3A_236 = arith.muli %add3A_113, %mul3A_235 : i32
        %add3A_237 = arith.addi %mul3A_32, %mul3A_236 : i32
        %dma_wait3A_238 = arith.constant 0 : i32
        %dma_wait3A_239 = arith.constant 0 : i32
        %dma_wait3A_240 = arith.constant 0 : i32
        %dma_wait3A_241 = arith.constant 0 : i32
        %dma_wait3A_242 = tpu.memref_slice %arg6[%dma_wait3A_238, %dma_wait3A_240, %dma_wait3A_239, %dma_wait3A_241] : memref<6x16x1x1024xf32, #tpu.memory_space<vmem>> -> memref<1x16x1x1024xf32, #tpu.memory_space<vmem>>
        %dma_wait3A_243 = tpu.memref_squeeze %dma_wait3A_242 : memref<1x16x1x1024xf32, #tpu.memory_space<vmem>> -> memref<16x1024xf32, #tpu.memory_space<vmem>>
        %dma_wait3A_244 = arith.constant 0 : i32
        %dma_wait3A_245 = tpu.memref_slice %arg4[%select_n3A, %add3A_237, %dma_wait3A_244] : memref<4x8192x1024xf32, #tpu.memory_space<hbm>> -> memref<1x16x1024xf32, #tpu.memory_space<hbm>>
        %dma_wait3A_246 = tpu.memref_squeeze %dma_wait3A_245 : memref<1x16x1024xf32, #tpu.memory_space<hbm>> -> memref<16x1024xf32, #tpu.memory_space<hbm>>
        %dma_wait3A_247 = arith.constant 0 : i32
        %dma_wait3A_248 = tpu.memref_slice %arg4[%select_n3A, %add3A_237, %dma_wait3A_247] : memref<4x8192x1024xf32, #tpu.memory_space<hbm>> -> memref<1x16x1024xf32, #tpu.memory_space<hbm>>
        %dma_wait3A_249 = tpu.memref_squeeze %dma_wait3A_248 : memref<1x16x1024xf32, #tpu.memory_space<hbm>> -> memref<16x1024xf32, #tpu.memory_space<hbm>>
        %dma_wait3A_250 = arith.constant 0 : i32
        %dma_wait3A_251 = arith.constant 0 : i32
        %dma_wait3A_252 = tpu.memref_slice %arg6[%dma_wait3A_238, %dma_wait3A_250, %dma_wait3A_239, %dma_wait3A_251] : memref<6x16x1x1024xf32, #tpu.memory_space<vmem>> -> memref<1x16x1x1024xf32, #tpu.memory_space<vmem>>
        %dma_wait3A_253 = tpu.memref_squeeze %dma_wait3A_252 : memref<1x16x1x1024xf32, #tpu.memory_space<vmem>> -> memref<16x1024xf32, #tpu.memory_space<vmem>>
        tpu.wait_dma2 semaphore(%arg13 : memref<!tpu.dma_semaphore, #tpu.memory_space<semaphore_mem>>) src(%dma_wait3A_253 : memref<16x1024xf32, #tpu.memory_space<vmem>>) dst(%dma_wait3A_249 : memref<16x1024xf32, #tpu.memory_space<hbm>>)
      } else {
      }
      %add3A_117 = arith.constant 6 : i32
      %add3A_118 = arith.addi %add3A_113, %add3A_117 : i32
      %lt3A_119 = arith.constant 64 : i32
      %lt3A_120 = arith.cmpi slt, %add3A_118, %lt3A_119 : i32
      %convert_element_type3A_121 = arith.extui %lt3A_120 : i1 to i32
      %cond3A_122 = arith.constant 0 : i32
      %cond3A_123 = arith.cmpi ne, %convert_element_type3A_121, %cond3A_122 : i32
      scf.if %cond3A_123 {
        %add3A_204 = arith.constant 6 : i32
        %add3A_205 = arith.addi %add3A_113, %add3A_204 : i32
        %mul3A_206 = arith.constant 16 : i32
        %mul3A_207 = arith.muli %add3A_205, %mul3A_206 : i32
        %dma_start3A_208 = arith.constant 0 : i32
        %dma_start3A_209 = arith.constant 0 : i32
        %dma_start3A_210 = arith.constant 0 : i32
        %dma_start3A_211 = arith.constant 0 : i32
        %dma_start3A_212 = tpu.memref_slice %arg6[%dma_start3A_208, %dma_start3A_209, %dma_start3A_210, %dma_start3A_211] : memref<6x16x1x1024xf32, #tpu.memory_space<vmem>> -> memref<1x16x1x1024xf32, #tpu.memory_space<vmem>>
        %dma_start3A_213 = tpu.memref_squeeze %dma_start3A_212 : memref<1x16x1x1024xf32, #tpu.memory_space<vmem>> -> memref<16x1x1024xf32, #tpu.memory_space<vmem>>
        %dma_start3A_214 = tpu.memref_slice %arg5[%mul3A_207] : memref<1024xi32, #tpu.memory_space<vmem>> -> memref<16xi32, #tpu.memory_space<vmem>>
        %dma_start3A_215 = arith.constant 0 : i32
        %dma_start3A_216 = arith.constant 0 : i32
        %dma_start3A_217 = arith.constant 0 : i32
        %dma_start3A_218 = tpu.memref_slice %arg3[%dma_start3A_215, %dma_start3A_216, %dma_start3A_217] : memref<8192x1x1024xf32, #tpu.memory_space<hbm>> -> memref<8192x1x1024xf32, #tpu.memory_space<hbm>>
        tpu.enqueue_indirect_dma source(%dma_start3A_218 : memref<8192x1x1024xf32, #tpu.memory_space<hbm>>) target(%dma_start3A_213 : memref<16x1x1024xf32, #tpu.memory_space<vmem>>) offsets(%dma_start3A_214 : memref<16xi32, #tpu.memory_space<vmem>>) semaphore(%arg7 : memref<!tpu.dma_semaphore, #tpu.memory_space<semaphore_mem>>)
      } else {
      }
      %mul3A_124 = arith.constant 6 : i32
      %mul3A_125 = arith.muli %scan3A_109, %mul3A_124 : i32
      %add3A_126 = arith.constant 1 : i32
      %add3A_127 = arith.addi %mul3A_125, %add3A_126 : i32
      %lt3A_128 = arith.constant 64 : i32
      %lt3A_129 = arith.cmpi slt, %add3A_127, %lt3A_128 : i32
      %convert_element_type3A_130 = arith.extui %lt3A_129 : i1 to i32
      %cond3A_131 = arith.constant 0 : i32
      %cond3A_132 = arith.cmpi ne, %convert_element_type3A_130, %cond3A_131 : i32
      scf.if %cond3A_132 {
        %mul3A_204 = arith.constant 16 : i32
        %mul3A_205 = arith.muli %add3A_127, %mul3A_204 : i32
        %dma_wait3A = arith.constant 1 : i32
        %dma_wait3A_206 = arith.constant 0 : i32
        %dma_wait3A_207 = arith.constant 0 : i32
        %dma_wait3A_208 = arith.constant 0 : i32
        %dma_wait3A_209 = tpu.memref_slice %arg6[%dma_wait3A, %dma_wait3A_206, %dma_wait3A_207, %dma_wait3A_208] : memref<6x16x1x1024xf32, #tpu.memory_space<vmem>> -> memref<1x16x1x1024xf32, #tpu.memory_space<vmem>>
        %dma_wait3A_210 = tpu.memref_squeeze %dma_wait3A_209 : memref<1x16x1x1024xf32, #tpu.memory_space<vmem>> -> memref<16x1x1024xf32, #tpu.memory_space<vmem>>
        %dma_wait3A_211 = tpu.memref_slice %arg5[%mul3A_205] : memref<1024xi32, #tpu.memory_space<vmem>> -> memref<16xi32, #tpu.memory_space<vmem>>
        %dma_wait3A_212 = arith.constant 0 : i32
        %dma_wait3A_213 = arith.constant 0 : i32
        %dma_wait3A_214 = arith.constant 0 : i32
        %dma_wait3A_215 = tpu.memref_slice %arg3[%dma_wait3A_212, %dma_wait3A_213, %dma_wait3A_214] : memref<8192x1x1024xf32, #tpu.memory_space<hbm>> -> memref<8192x1x1024xf32, #tpu.memory_space<hbm>>
        tpu.wait_indirect_dma semaphore(%arg8 : memref<!tpu.dma_semaphore, #tpu.memory_space<semaphore_mem>>) src(%dma_wait3A_215 : memref<8192x1x1024xf32, #tpu.memory_space<hbm>>) dst(%dma_wait3A_210 : memref<16x1x1024xf32, #tpu.memory_space<vmem>>)
        %mul3A_216 = arith.constant 16 : i32
        %mul3A_217 = arith.muli %add3A_127, %mul3A_216 : i32
        %add3A_218 = arith.addi %mul3A_32, %mul3A_217 : i32
        %dma_start3A_219 = arith.constant 1 : i32
        %dma_start3A_220 = arith.constant 0 : i32
        %dma_start3A_221 = arith.constant 0 : i32
        %dma_start3A_222 = arith.constant 0 : i32
        %dma_start3A_223 = tpu.memref_slice %arg6[%dma_start3A_219, %dma_start3A_221, %dma_start3A_220, %dma_start3A_222] : memref<6x16x1x1024xf32, #tpu.memory_space<vmem>> -> memref<1x16x1x1024xf32, #tpu.memory_space<vmem>>
        %dma_start3A_224 = tpu.memref_squeeze %dma_start3A_223 : memref<1x16x1x1024xf32, #tpu.memory_space<vmem>> -> memref<16x1024xf32, #tpu.memory_space<vmem>>
        %dma_start3A_225 = arith.constant 0 : i32
        %dma_start3A_226 = tpu.memref_slice %arg4[%select_n3A, %add3A_218, %dma_start3A_225] : memref<4x8192x1024xf32, #tpu.memory_space<hbm>> -> memref<1x16x1024xf32, #tpu.memory_space<hbm>>
        %dma_start3A_227 = tpu.memref_squeeze %dma_start3A_226 : memref<1x16x1024xf32, #tpu.memory_space<hbm>> -> memref<16x1024xf32, #tpu.memory_space<hbm>>
        %dma_start3A_228 = arith.constant 0 : i32
        %dma_start3A_229 = tpu.memref_slice %arg4[%select_n3A, %add3A_218, %dma_start3A_228] : memref<4x8192x1024xf32, #tpu.memory_space<hbm>> -> memref<1x16x1024xf32, #tpu.memory_space<hbm>>
        %dma_start3A_230 = tpu.memref_squeeze %dma_start3A_229 : memref<1x16x1024xf32, #tpu.memory_space<hbm>> -> memref<16x1024xf32, #tpu.memory_space<hbm>>
        %dma_start3A_231 = arith.constant 0 : i32
        %dma_start3A_232 = arith.constant 0 : i32
        %dma_start3A_233 = tpu.memref_slice %arg6[%dma_start3A_219, %dma_start3A_231, %dma_start3A_220, %dma_start3A_232] : memref<6x16x1x1024xf32, #tpu.memory_space<vmem>> -> memref<1x16x1x1024xf32, #tpu.memory_space<vmem>>
        %dma_start3A_234 = tpu.memref_squeeze %dma_start3A_233 : memref<1x16x1x1024xf32, #tpu.memory_space<vmem>> -> memref<16x1024xf32, #tpu.memory_space<vmem>>
        tpu.enqueue_dma source(%dma_start3A_234 : memref<16x1024xf32, #tpu.memory_space<vmem>>) target(%dma_start3A_230 : memref<16x1024xf32, #tpu.memory_space<hbm>>) target_semaphore(%arg14 : memref<!tpu.dma_semaphore, #tpu.memory_space<semaphore_mem>>)
        %mul3A_235 = arith.constant 16 : i32
        %mul3A_236 = arith.muli %add3A_127, %mul3A_235 : i32
        %add3A_237 = arith.addi %mul3A_32, %mul3A_236 : i32
        %dma_wait3A_238 = arith.constant 1 : i32
        %dma_wait3A_239 = arith.constant 0 : i32
        %dma_wait3A_240 = arith.constant 0 : i32
        %dma_wait3A_241 = arith.constant 0 : i32
        %dma_wait3A_242 = tpu.memref_slice %arg6[%dma_wait3A_238, %dma_wait3A_240, %dma_wait3A_239, %dma_wait3A_241] : memref<6x16x1x1024xf32, #tpu.memory_space<vmem>> -> memref<1x16x1x1024xf32, #tpu.memory_space<vmem>>
        %dma_wait3A_243 = tpu.memref_squeeze %dma_wait3A_242 : memref<1x16x1x1024xf32, #tpu.memory_space<vmem>> -> memref<16x1024xf32, #tpu.memory_space<vmem>>
        %dma_wait3A_244 = arith.constant 0 : i32
        %dma_wait3A_245 = tpu.memref_slice %arg4[%select_n3A, %add3A_237, %dma_wait3A_244] : memref<4x8192x1024xf32, #tpu.memory_space<hbm>> -> memref<1x16x1024xf32, #tpu.memory_space<hbm>>
        %dma_wait3A_246 = tpu.memref_squeeze %dma_wait3A_245 : memref<1x16x1024xf32, #tpu.memory_space<hbm>> -> memref<16x1024xf32, #tpu.memory_space<hbm>>
        %dma_wait3A_247 = arith.constant 0 : i32
        %dma_wait3A_248 = tpu.memref_slice %arg4[%select_n3A, %add3A_237, %dma_wait3A_247] : memref<4x8192x1024xf32, #tpu.memory_space<hbm>> -> memref<1x16x1024xf32, #tpu.memory_space<hbm>>
        %dma_wait3A_249 = tpu.memref_squeeze %dma_wait3A_248 : memref<1x16x1024xf32, #tpu.memory_space<hbm>> -> memref<16x1024xf32, #tpu.memory_space<hbm>>
        %dma_wait3A_250 = arith.constant 0 : i32
        %dma_wait3A_251 = arith.constant 0 : i32
        %dma_wait3A_252 = tpu.memref_slice %arg6[%dma_wait3A_238, %dma_wait3A_250, %dma_wait3A_239, %dma_wait3A_251] : memref<6x16x1x1024xf32, #tpu.memory_space<vmem>> -> memref<1x16x1x1024xf32, #tpu.memory_space<vmem>>
        %dma_wait3A_253 = tpu.memref_squeeze %dma_wait3A_252 : memref<1x16x1x1024xf32, #tpu.memory_space<vmem>> -> memref<16x1024xf32, #tpu.memory_space<vmem>>
        tpu.wait_dma2 semaphore(%arg14 : memref<!tpu.dma_semaphore, #tpu.memory_space<semaphore_mem>>) src(%dma_wait3A_253 : memref<16x1024xf32, #tpu.memory_space<vmem>>) dst(%dma_wait3A_249 : memref<16x1024xf32, #tpu.memory_space<hbm>>)
      } else {
      }
      %add3A_133 = arith.constant 6 : i32
      %add3A_134 = arith.addi %add3A_127, %add3A_133 : i32
      %lt3A_135 = arith.constant 64 : i32
      %lt3A_136 = arith.cmpi slt, %add3A_134, %lt3A_135 : i32
      %convert_element_type3A_137 = arith.extui %lt3A_136 : i1 to i32
      %cond3A_138 = arith.constant 0 : i32
      %cond3A_139 = arith.cmpi ne, %convert_element_type3A_137, %cond3A_138 : i32
      scf.if %cond3A_139 {
        %add3A_204 = arith.constant 6 : i32
        %add3A_205 = arith.addi %add3A_127, %add3A_204 : i32
        %mul3A_206 = arith.constant 16 : i32
        %mul3A_207 = arith.muli %add3A_205, %mul3A_206 : i32
        %dma_start3A_208 = arith.constant 1 : i32
        %dma_start3A_209 = arith.constant 0 : i32
        %dma_start3A_210 = arith.constant 0 : i32
        %dma_start3A_211 = arith.constant 0 : i32
        %dma_start3A_212 = tpu.memref_slice %arg6[%dma_start3A_208, %dma_start3A_209, %dma_start3A_210, %dma_start3A_211] : memref<6x16x1x1024xf32, #tpu.memory_space<vmem>> -> memref<1x16x1x1024xf32, #tpu.memory_space<vmem>>
        %dma_start3A_213 = tpu.memref_squeeze %dma_start3A_212 : memref<1x16x1x1024xf32, #tpu.memory_space<vmem>> -> memref<16x1x1024xf32, #tpu.memory_space<vmem>>
        %dma_start3A_214 = tpu.memref_slice %arg5[%mul3A_207] : memref<1024xi32, #tpu.memory_space<vmem>> -> memref<16xi32, #tpu.memory_space<vmem>>
        %dma_start3A_215 = arith.constant 0 : i32
        %dma_start3A_216 = arith.constant 0 : i32
        %dma_start3A_217 = arith.constant 0 : i32
        %dma_start3A_218 = tpu.memref_slice %arg3[%dma_start3A_215, %dma_start3A_216, %dma_start3A_217] : memref<8192x1x1024xf32, #tpu.memory_space<hbm>> -> memref<8192x1x1024xf32, #tpu.memory_space<hbm>>
        tpu.enqueue_indirect_dma source(%dma_start3A_218 : memref<8192x1x1024xf32, #tpu.memory_space<hbm>>) target(%dma_start3A_213 : memref<16x1x1024xf32, #tpu.memory_space<vmem>>) offsets(%dma_start3A_214 : memref<16xi32, #tpu.memory_space<vmem>>) semaphore(%arg8 : memref<!tpu.dma_semaphore, #tpu.memory_space<semaphore_mem>>)
      } else {
      }
      %mul3A_140 = arith.constant 6 : i32
      %mul3A_141 = arith.muli %scan3A_109, %mul3A_140 : i32
      %add3A_142 = arith.constant 2 : i32
      %add3A_143 = arith.addi %mul3A_141, %add3A_142 : i32
      %lt3A_144 = arith.constant 64 : i32
      %lt3A_145 = arith.cmpi slt, %add3A_143, %lt3A_144 : i32
      %convert_element_type3A_146 = arith.extui %lt3A_145 : i1 to i32
      %cond3A_147 = arith.constant 0 : i32
      %cond3A_148 = arith.cmpi ne, %convert_element_type3A_146, %cond3A_147 : i32
      scf.if %cond3A_148 {
        %mul3A_204 = arith.constant 16 : i32
        %mul3A_205 = arith.muli %add3A_143, %mul3A_204 : i32
        %dma_wait3A = arith.constant 2 : i32
        %dma_wait3A_206 = arith.constant 0 : i32
        %dma_wait3A_207 = arith.constant 0 : i32
        %dma_wait3A_208 = arith.constant 0 : i32
        %dma_wait3A_209 = tpu.memref_slice %arg6[%dma_wait3A, %dma_wait3A_206, %dma_wait3A_207, %dma_wait3A_208] : memref<6x16x1x1024xf32, #tpu.memory_space<vmem>> -> memref<1x16x1x1024xf32, #tpu.memory_space<vmem>>
        %dma_wait3A_210 = tpu.memref_squeeze %dma_wait3A_209 : memref<1x16x1x1024xf32, #tpu.memory_space<vmem>> -> memref<16x1x1024xf32, #tpu.memory_space<vmem>>
        %dma_wait3A_211 = tpu.memref_slice %arg5[%mul3A_205] : memref<1024xi32, #tpu.memory_space<vmem>> -> memref<16xi32, #tpu.memory_space<vmem>>
        %dma_wait3A_212 = arith.constant 0 : i32
        %dma_wait3A_213 = arith.constant 0 : i32
        %dma_wait3A_214 = arith.constant 0 : i32
        %dma_wait3A_215 = tpu.memref_slice %arg3[%dma_wait3A_212, %dma_wait3A_213, %dma_wait3A_214] : memref<8192x1x1024xf32, #tpu.memory_space<hbm>> -> memref<8192x1x1024xf32, #tpu.memory_space<hbm>>
        tpu.wait_indirect_dma semaphore(%arg9 : memref<!tpu.dma_semaphore, #tpu.memory_space<semaphore_mem>>) src(%dma_wait3A_215 : memref<8192x1x1024xf32, #tpu.memory_space<hbm>>) dst(%dma_wait3A_210 : memref<16x1x1024xf32, #tpu.memory_space<vmem>>)
        %mul3A_216 = arith.constant 16 : i32
        %mul3A_217 = arith.muli %add3A_143, %mul3A_216 : i32
        %add3A_218 = arith.addi %mul3A_32, %mul3A_217 : i32
        %dma_start3A_219 = arith.constant 2 : i32
        %dma_start3A_220 = arith.constant 0 : i32
        %dma_start3A_221 = arith.constant 0 : i32
        %dma_start3A_222 = arith.constant 0 : i32
        %dma_start3A_223 = tpu.memref_slice %arg6[%dma_start3A_219, %dma_start3A_221, %dma_start3A_220, %dma_start3A_222] : memref<6x16x1x1024xf32, #tpu.memory_space<vmem>> -> memref<1x16x1x1024xf32, #tpu.memory_space<vmem>>
        %dma_start3A_224 = tpu.memref_squeeze %dma_start3A_223 : memref<1x16x1x1024xf32, #tpu.memory_space<vmem>> -> memref<16x1024xf32, #tpu.memory_space<vmem>>
        %dma_start3A_225 = arith.constant 0 : i32
        %dma_start3A_226 = tpu.memref_slice %arg4[%select_n3A, %add3A_218, %dma_start3A_225] : memref<4x8192x1024xf32, #tpu.memory_space<hbm>> -> memref<1x16x1024xf32, #tpu.memory_space<hbm>>
        %dma_start3A_227 = tpu.memref_squeeze %dma_start3A_226 : memref<1x16x1024xf32, #tpu.memory_space<hbm>> -> memref<16x1024xf32, #tpu.memory_space<hbm>>
        %dma_start3A_228 = arith.constant 0 : i32
        %dma_start3A_229 = tpu.memref_slice %arg4[%select_n3A, %add3A_218, %dma_start3A_228] : memref<4x8192x1024xf32, #tpu.memory_space<hbm>> -> memref<1x16x1024xf32, #tpu.memory_space<hbm>>
        %dma_start3A_230 = tpu.memref_squeeze %dma_start3A_229 : memref<1x16x1024xf32, #tpu.memory_space<hbm>> -> memref<16x1024xf32, #tpu.memory_space<hbm>>
        %dma_start3A_231 = arith.constant 0 : i32
        %dma_start3A_232 = arith.constant 0 : i32
        %dma_start3A_233 = tpu.memref_slice %arg6[%dma_start3A_219, %dma_start3A_231, %dma_start3A_220, %dma_start3A_232] : memref<6x16x1x1024xf32, #tpu.memory_space<vmem>> -> memref<1x16x1x1024xf32, #tpu.memory_space<vmem>>
        %dma_start3A_234 = tpu.memref_squeeze %dma_start3A_233 : memref<1x16x1x1024xf32, #tpu.memory_space<vmem>> -> memref<16x1024xf32, #tpu.memory_space<vmem>>
        tpu.enqueue_dma source(%dma_start3A_234 : memref<16x1024xf32, #tpu.memory_space<vmem>>) target(%dma_start3A_230 : memref<16x1024xf32, #tpu.memory_space<hbm>>) target_semaphore(%arg15 : memref<!tpu.dma_semaphore, #tpu.memory_space<semaphore_mem>>)
        %mul3A_235 = arith.constant 16 : i32
        %mul3A_236 = arith.muli %add3A_143, %mul3A_235 : i32
        %add3A_237 = arith.addi %mul3A_32, %mul3A_236 : i32
        %dma_wait3A_238 = arith.constant 2 : i32
        %dma_wait3A_239 = arith.constant 0 : i32
        %dma_wait3A_240 = arith.constant 0 : i32
        %dma_wait3A_241 = arith.constant 0 : i32
        %dma_wait3A_242 = tpu.memref_slice %arg6[%dma_wait3A_238, %dma_wait3A_240, %dma_wait3A_239, %dma_wait3A_241] : memref<6x16x1x1024xf32, #tpu.memory_space<vmem>> -> memref<1x16x1x1024xf32, #tpu.memory_space<vmem>>
        %dma_wait3A_243 = tpu.memref_squeeze %dma_wait3A_242 : memref<1x16x1x1024xf32, #tpu.memory_space<vmem>> -> memref<16x1024xf32, #tpu.memory_space<vmem>>
        %dma_wait3A_244 = arith.constant 0 : i32
        %dma_wait3A_245 = tpu.memref_slice %arg4[%select_n3A, %add3A_237, %dma_wait3A_244] : memref<4x8192x1024xf32, #tpu.memory_space<hbm>> -> memref<1x16x1024xf32, #tpu.memory_space<hbm>>
        %dma_wait3A_246 = tpu.memref_squeeze %dma_wait3A_245 : memref<1x16x1024xf32, #tpu.memory_space<hbm>> -> memref<16x1024xf32, #tpu.memory_space<hbm>>
        %dma_wait3A_247 = arith.constant 0 : i32
        %dma_wait3A_248 = tpu.memref_slice %arg4[%select_n3A, %add3A_237, %dma_wait3A_247] : memref<4x8192x1024xf32, #tpu.memory_space<hbm>> -> memref<1x16x1024xf32, #tpu.memory_space<hbm>>
        %dma_wait3A_249 = tpu.memref_squeeze %dma_wait3A_248 : memref<1x16x1024xf32, #tpu.memory_space<hbm>> -> memref<16x1024xf32, #tpu.memory_space<hbm>>
        %dma_wait3A_250 = arith.constant 0 : i32
        %dma_wait3A_251 = arith.constant 0 : i32
        %dma_wait3A_252 = tpu.memref_slice %arg6[%dma_wait3A_238, %dma_wait3A_250, %dma_wait3A_239, %dma_wait3A_251] : memref<6x16x1x1024xf32, #tpu.memory_space<vmem>> -> memref<1x16x1x1024xf32, #tpu.memory_space<vmem>>
        %dma_wait3A_253 = tpu.memref_squeeze %dma_wait3A_252 : memref<1x16x1x1024xf32, #tpu.memory_space<vmem>> -> memref<16x1024xf32, #tpu.memory_space<vmem>>
        tpu.wait_dma2 semaphore(%arg15 : memref<!tpu.dma_semaphore, #tpu.memory_space<semaphore_mem>>) src(%dma_wait3A_253 : memref<16x1024xf32, #tpu.memory_space<vmem>>) dst(%dma_wait3A_249 : memref<16x1024xf32, #tpu.memory_space<hbm>>)
      } else {
      }
      %add3A_149 = arith.constant 6 : i32
      %add3A_150 = arith.addi %add3A_143, %add3A_149 : i32
      %lt3A_151 = arith.constant 64 : i32
      %lt3A_152 = arith.cmpi slt, %add3A_150, %lt3A_151 : i32
      %convert_element_type3A_153 = arith.extui %lt3A_152 : i1 to i32
      %cond3A_154 = arith.constant 0 : i32
      %cond3A_155 = arith.cmpi ne, %convert_element_type3A_153, %cond3A_154 : i32
      scf.if %cond3A_155 {
        %add3A_204 = arith.constant 6 : i32
        %add3A_205 = arith.addi %add3A_143, %add3A_204 : i32
        %mul3A_206 = arith.constant 16 : i32
        %mul3A_207 = arith.muli %add3A_205, %mul3A_206 : i32
        %dma_start3A_208 = arith.constant 2 : i32
        %dma_start3A_209 = arith.constant 0 : i32
        %dma_start3A_210 = arith.constant 0 : i32
        %dma_start3A_211 = arith.constant 0 : i32
        %dma_start3A_212 = tpu.memref_slice %arg6[%dma_start3A_208, %dma_start3A_209, %dma_start3A_210, %dma_start3A_211] : memref<6x16x1x1024xf32, #tpu.memory_space<vmem>> -> memref<1x16x1x1024xf32, #tpu.memory_space<vmem>>
        %dma_start3A_213 = tpu.memref_squeeze %dma_start3A_212 : memref<1x16x1x1024xf32, #tpu.memory_space<vmem>> -> memref<16x1x1024xf32, #tpu.memory_space<vmem>>
        %dma_start3A_214 = tpu.memref_slice %arg5[%mul3A_207] : memref<1024xi32, #tpu.memory_space<vmem>> -> memref<16xi32, #tpu.memory_space<vmem>>
        %dma_start3A_215 = arith.constant 0 : i32
        %dma_start3A_216 = arith.constant 0 : i32
        %dma_start3A_217 = arith.constant 0 : i32
        %dma_start3A_218 = tpu.memref_slice %arg3[%dma_start3A_215, %dma_start3A_216, %dma_start3A_217] : memref<8192x1x1024xf32, #tpu.memory_space<hbm>> -> memref<8192x1x1024xf32, #tpu.memory_space<hbm>>
        tpu.enqueue_indirect_dma source(%dma_start3A_218 : memref<8192x1x1024xf32, #tpu.memory_space<hbm>>) target(%dma_start3A_213 : memref<16x1x1024xf32, #tpu.memory_space<vmem>>) offsets(%dma_start3A_214 : memref<16xi32, #tpu.memory_space<vmem>>) semaphore(%arg9 : memref<!tpu.dma_semaphore, #tpu.memory_space<semaphore_mem>>)
      } else {
      }
      %mul3A_156 = arith.constant 6 : i32
      %mul3A_157 = arith.muli %scan3A_109, %mul3A_156 : i32
      %add3A_158 = arith.constant 3 : i32
      %add3A_159 = arith.addi %mul3A_157, %add3A_158 : i32
      %lt3A_160 = arith.constant 64 : i32
      %lt3A_161 = arith.cmpi slt, %add3A_159, %lt3A_160 : i32
      %convert_element_type3A_162 = arith.extui %lt3A_161 : i1 to i32
      %cond3A_163 = arith.constant 0 : i32
      %cond3A_164 = arith.cmpi ne, %convert_element_type3A_162, %cond3A_163 : i32
      scf.if %cond3A_164 {
        %mul3A_204 = arith.constant 16 : i32
        %mul3A_205 = arith.muli %add3A_159, %mul3A_204 : i32
        %dma_wait3A = arith.constant 3 : i32
        %dma_wait3A_206 = arith.constant 0 : i32
        %dma_wait3A_207 = arith.constant 0 : i32
        %dma_wait3A_208 = arith.constant 0 : i32
        %dma_wait3A_209 = tpu.memref_slice %arg6[%dma_wait3A, %dma_wait3A_206, %dma_wait3A_207, %dma_wait3A_208] : memref<6x16x1x1024xf32, #tpu.memory_space<vmem>> -> memref<1x16x1x1024xf32, #tpu.memory_space<vmem>>
        %dma_wait3A_210 = tpu.memref_squeeze %dma_wait3A_209 : memref<1x16x1x1024xf32, #tpu.memory_space<vmem>> -> memref<16x1x1024xf32, #tpu.memory_space<vmem>>
        %dma_wait3A_211 = tpu.memref_slice %arg5[%mul3A_205] : memref<1024xi32, #tpu.memory_space<vmem>> -> memref<16xi32, #tpu.memory_space<vmem>>
        %dma_wait3A_212 = arith.constant 0 : i32
        %dma_wait3A_213 = arith.constant 0 : i32
        %dma_wait3A_214 = arith.constant 0 : i32
        %dma_wait3A_215 = tpu.memref_slice %arg3[%dma_wait3A_212, %dma_wait3A_213, %dma_wait3A_214] : memref<8192x1x1024xf32, #tpu.memory_space<hbm>> -> memref<8192x1x1024xf32, #tpu.memory_space<hbm>>
        tpu.wait_indirect_dma semaphore(%arg10 : memref<!tpu.dma_semaphore, #tpu.memory_space<semaphore_mem>>) src(%dma_wait3A_215 : memref<8192x1x1024xf32, #tpu.memory_space<hbm>>) dst(%dma_wait3A_210 : memref<16x1x1024xf32, #tpu.memory_space<vmem>>)
        %mul3A_216 = arith.constant 16 : i32
        %mul3A_217 = arith.muli %add3A_159, %mul3A_216 : i32
        %add3A_218 = arith.addi %mul3A_32, %mul3A_217 : i32
        %dma_start3A_219 = arith.constant 3 : i32
        %dma_start3A_220 = arith.constant 0 : i32
        %dma_start3A_221 = arith.constant 0 : i32
        %dma_start3A_222 = arith.constant 0 : i32
        %dma_start3A_223 = tpu.memref_slice %arg6[%dma_start3A_219, %dma_start3A_221, %dma_start3A_220, %dma_start3A_222] : memref<6x16x1x1024xf32, #tpu.memory_space<vmem>> -> memref<1x16x1x1024xf32, #tpu.memory_space<vmem>>
        %dma_start3A_224 = tpu.memref_squeeze %dma_start3A_223 : memref<1x16x1x1024xf32, #tpu.memory_space<vmem>> -> memref<16x1024xf32, #tpu.memory_space<vmem>>
        %dma_start3A_225 = arith.constant 0 : i32
        %dma_start3A_226 = tpu.memref_slice %arg4[%select_n3A, %add3A_218, %dma_start3A_225] : memref<4x8192x1024xf32, #tpu.memory_space<hbm>> -> memref<1x16x1024xf32, #tpu.memory_space<hbm>>
        %dma_start3A_227 = tpu.memref_squeeze %dma_start3A_226 : memref<1x16x1024xf32, #tpu.memory_space<hbm>> -> memref<16x1024xf32, #tpu.memory_space<hbm>>
        %dma_start3A_228 = arith.constant 0 : i32
        %dma_start3A_229 = tpu.memref_slice %arg4[%select_n3A, %add3A_218, %dma_start3A_228] : memref<4x8192x1024xf32, #tpu.memory_space<hbm>> -> memref<1x16x1024xf32, #tpu.memory_space<hbm>>
        %dma_start3A_230 = tpu.memref_squeeze %dma_start3A_229 : memref<1x16x1024xf32, #tpu.memory_space<hbm>> -> memref<16x1024xf32, #tpu.memory_space<hbm>>
        %dma_start3A_231 = arith.constant 0 : i32
        %dma_start3A_232 = arith.constant 0 : i32
        %dma_start3A_233 = tpu.memref_slice %arg6[%dma_start3A_219, %dma_start3A_231, %dma_start3A_220, %dma_start3A_232] : memref<6x16x1x1024xf32, #tpu.memory_space<vmem>> -> memref<1x16x1x1024xf32, #tpu.memory_space<vmem>>
        %dma_start3A_234 = tpu.memref_squeeze %dma_start3A_233 : memref<1x16x1x1024xf32, #tpu.memory_space<vmem>> -> memref<16x1024xf32, #tpu.memory_space<vmem>>
        tpu.enqueue_dma source(%dma_start3A_234 : memref<16x1024xf32, #tpu.memory_space<vmem>>) target(%dma_start3A_230 : memref<16x1024xf32, #tpu.memory_space<hbm>>) target_semaphore(%arg16 : memref<!tpu.dma_semaphore, #tpu.memory_space<semaphore_mem>>)
        %mul3A_235 = arith.constant 16 : i32
        %mul3A_236 = arith.muli %add3A_159, %mul3A_235 : i32
        %add3A_237 = arith.addi %mul3A_32, %mul3A_236 : i32
        %dma_wait3A_238 = arith.constant 3 : i32
        %dma_wait3A_239 = arith.constant 0 : i32
        %dma_wait3A_240 = arith.constant 0 : i32
        %dma_wait3A_241 = arith.constant 0 : i32
        %dma_wait3A_242 = tpu.memref_slice %arg6[%dma_wait3A_238, %dma_wait3A_240, %dma_wait3A_239, %dma_wait3A_241] : memref<6x16x1x1024xf32, #tpu.memory_space<vmem>> -> memref<1x16x1x1024xf32, #tpu.memory_space<vmem>>
        %dma_wait3A_243 = tpu.memref_squeeze %dma_wait3A_242 : memref<1x16x1x1024xf32, #tpu.memory_space<vmem>> -> memref<16x1024xf32, #tpu.memory_space<vmem>>
        %dma_wait3A_244 = arith.constant 0 : i32
        %dma_wait3A_245 = tpu.memref_slice %arg4[%select_n3A, %add3A_237, %dma_wait3A_244] : memref<4x8192x1024xf32, #tpu.memory_space<hbm>> -> memref<1x16x1024xf32, #tpu.memory_space<hbm>>
        %dma_wait3A_246 = tpu.memref_squeeze %dma_wait3A_245 : memref<1x16x1024xf32, #tpu.memory_space<hbm>> -> memref<16x1024xf32, #tpu.memory_space<hbm>>
        %dma_wait3A_247 = arith.constant 0 : i32
        %dma_wait3A_248 = tpu.memref_slice %arg4[%select_n3A, %add3A_237, %dma_wait3A_247] : memref<4x8192x1024xf32, #tpu.memory_space<hbm>> -> memref<1x16x1024xf32, #tpu.memory_space<hbm>>
        %dma_wait3A_249 = tpu.memref_squeeze %dma_wait3A_248 : memref<1x16x1024xf32, #tpu.memory_space<hbm>> -> memref<16x1024xf32, #tpu.memory_space<hbm>>
        %dma_wait3A_250 = arith.constant 0 : i32
        %dma_wait3A_251 = arith.constant 0 : i32
        %dma_wait3A_252 = tpu.memref_slice %arg6[%dma_wait3A_238, %dma_wait3A_250, %dma_wait3A_239, %dma_wait3A_251] : memref<6x16x1x1024xf32, #tpu.memory_space<vmem>> -> memref<1x16x1x1024xf32, #tpu.memory_space<vmem>>
        %dma_wait3A_253 = tpu.memref_squeeze %dma_wait3A_252 : memref<1x16x1x1024xf32, #tpu.memory_space<vmem>> -> memref<16x1024xf32, #tpu.memory_space<vmem>>
        tpu.wait_dma2 semaphore(%arg16 : memref<!tpu.dma_semaphore, #tpu.memory_space<semaphore_mem>>) src(%dma_wait3A_253 : memref<16x1024xf32, #tpu.memory_space<vmem>>) dst(%dma_wait3A_249 : memref<16x1024xf32, #tpu.memory_space<hbm>>)
      } else {
      }
      %add3A_165 = arith.constant 6 : i32
      %add3A_166 = arith.addi %add3A_159, %add3A_165 : i32
      %lt3A_167 = arith.constant 64 : i32
      %lt3A_168 = arith.cmpi slt, %add3A_166, %lt3A_167 : i32
      %convert_element_type3A_169 = arith.extui %lt3A_168 : i1 to i32
      %cond3A_170 = arith.constant 0 : i32
      %cond3A_171 = arith.cmpi ne, %convert_element_type3A_169, %cond3A_170 : i32
      scf.if %cond3A_171 {
        %add3A_204 = arith.constant 6 : i32
        %add3A_205 = arith.addi %add3A_159, %add3A_204 : i32
        %mul3A_206 = arith.constant 16 : i32
        %mul3A_207 = arith.muli %add3A_205, %mul3A_206 : i32
        %dma_start3A_208 = arith.constant 3 : i32
        %dma_start3A_209 = arith.constant 0 : i32
        %dma_start3A_210 = arith.constant 0 : i32
        %dma_start3A_211 = arith.constant 0 : i32
        %dma_start3A_212 = tpu.memref_slice %arg6[%dma_start3A_208, %dma_start3A_209, %dma_start3A_210, %dma_start3A_211] : memref<6x16x1x1024xf32, #tpu.memory_space<vmem>> -> memref<1x16x1x1024xf32, #tpu.memory_space<vmem>>
        %dma_start3A_213 = tpu.memref_squeeze %dma_start3A_212 : memref<1x16x1x1024xf32, #tpu.memory_space<vmem>> -> memref<16x1x1024xf32, #tpu.memory_space<vmem>>
        %dma_start3A_214 = tpu.memref_slice %arg5[%mul3A_207] : memref<1024xi32, #tpu.memory_space<vmem>> -> memref<16xi32, #tpu.memory_space<vmem>>
        %dma_start3A_215 = arith.constant 0 : i32
        %dma_start3A_216 = arith.constant 0 : i32
        %dma_start3A_217 = arith.constant 0 : i32
        %dma_start3A_218 = tpu.memref_slice %arg3[%dma_start3A_215, %dma_start3A_216, %dma_start3A_217] : memref<8192x1x1024xf32, #tpu.memory_space<hbm>> -> memref<8192x1x1024xf32, #tpu.memory_space<hbm>>
        tpu.enqueue_indirect_dma source(%dma_start3A_218 : memref<8192x1x1024xf32, #tpu.memory_space<hbm>>) target(%dma_start3A_213 : memref<16x1x1024xf32, #tpu.memory_space<vmem>>) offsets(%dma_start3A_214 : memref<16xi32, #tpu.memory_space<vmem>>) semaphore(%arg10 : memref<!tpu.dma_semaphore, #tpu.memory_space<semaphore_mem>>)
      } else {
      }
      %mul3A_172 = arith.constant 6 : i32
      %mul3A_173 = arith.muli %scan3A_109, %mul3A_172 : i32
      %add3A_174 = arith.constant 4 : i32
      %add3A_175 = arith.addi %mul3A_173, %add3A_174 : i32
      %lt3A_176 = arith.constant 64 : i32
      %lt3A_177 = arith.cmpi slt, %add3A_175, %lt3A_176 : i32
      %convert_element_type3A_178 = arith.extui %lt3A_177 : i1 to i32
      %cond3A_179 = arith.constant 0 : i32
      %cond3A_180 = arith.cmpi ne, %convert_element_type3A_178, %cond3A_179 : i32
      scf.if %cond3A_180 {
        %mul3A_204 = arith.constant 16 : i32
        %mul3A_205 = arith.muli %add3A_175, %mul3A_204 : i32
        %dma_wait3A = arith.constant 4 : i32
        %dma_wait3A_206 = arith.constant 0 : i32
        %dma_wait3A_207 = arith.constant 0 : i32
        %dma_wait3A_208 = arith.constant 0 : i32
        %dma_wait3A_209 = tpu.memref_slice %arg6[%dma_wait3A, %dma_wait3A_206, %dma_wait3A_207, %dma_wait3A_208] : memref<6x16x1x1024xf32, #tpu.memory_space<vmem>> -> memref<1x16x1x1024xf32, #tpu.memory_space<vmem>>
        %dma_wait3A_210 = tpu.memref_squeeze %dma_wait3A_209 : memref<1x16x1x1024xf32, #tpu.memory_space<vmem>> -> memref<16x1x1024xf32, #tpu.memory_space<vmem>>
        %dma_wait3A_211 = tpu.memref_slice %arg5[%mul3A_205] : memref<1024xi32, #tpu.memory_space<vmem>> -> memref<16xi32, #tpu.memory_space<vmem>>
        %dma_wait3A_212 = arith.constant 0 : i32
        %dma_wait3A_213 = arith.constant 0 : i32
        %dma_wait3A_214 = arith.constant 0 : i32
        %dma_wait3A_215 = tpu.memref_slice %arg3[%dma_wait3A_212, %dma_wait3A_213, %dma_wait3A_214] : memref<8192x1x1024xf32, #tpu.memory_space<hbm>> -> memref<8192x1x1024xf32, #tpu.memory_space<hbm>>
        tpu.wait_indirect_dma semaphore(%arg11 : memref<!tpu.dma_semaphore, #tpu.memory_space<semaphore_mem>>) src(%dma_wait3A_215 : memref<8192x1x1024xf32, #tpu.memory_space<hbm>>) dst(%dma_wait3A_210 : memref<16x1x1024xf32, #tpu.memory_space<vmem>>)
        %mul3A_216 = arith.constant 16 : i32
        %mul3A_217 = arith.muli %add3A_175, %mul3A_216 : i32
        %add3A_218 = arith.addi %mul3A_32, %mul3A_217 : i32
        %dma_start3A_219 = arith.constant 4 : i32
        %dma_start3A_220 = arith.constant 0 : i32
        %dma_start3A_221 = arith.constant 0 : i32
        %dma_start3A_222 = arith.constant 0 : i32
        %dma_start3A_223 = tpu.memref_slice %arg6[%dma_start3A_219, %dma_start3A_221, %dma_start3A_220, %dma_start3A_222] : memref<6x16x1x1024xf32, #tpu.memory_space<vmem>> -> memref<1x16x1x1024xf32, #tpu.memory_space<vmem>>
        %dma_start3A_224 = tpu.memref_squeeze %dma_start3A_223 : memref<1x16x1x1024xf32, #tpu.memory_space<vmem>> -> memref<16x1024xf32, #tpu.memory_space<vmem>>
        %dma_start3A_225 = arith.constant 0 : i32
        %dma_start3A_226 = tpu.memref_slice %arg4[%select_n3A, %add3A_218, %dma_start3A_225] : memref<4x8192x1024xf32, #tpu.memory_space<hbm>> -> memref<1x16x1024xf32, #tpu.memory_space<hbm>>
        %dma_start3A_227 = tpu.memref_squeeze %dma_start3A_226 : memref<1x16x1024xf32, #tpu.memory_space<hbm>> -> memref<16x1024xf32, #tpu.memory_space<hbm>>
        %dma_start3A_228 = arith.constant 0 : i32
        %dma_start3A_229 = tpu.memref_slice %arg4[%select_n3A, %add3A_218, %dma_start3A_228] : memref<4x8192x1024xf32, #tpu.memory_space<hbm>> -> memref<1x16x1024xf32, #tpu.memory_space<hbm>>
        %dma_start3A_230 = tpu.memref_squeeze %dma_start3A_229 : memref<1x16x1024xf32, #tpu.memory_space<hbm>> -> memref<16x1024xf32, #tpu.memory_space<hbm>>
        %dma_start3A_231 = arith.constant 0 : i32
        %dma_start3A_232 = arith.constant 0 : i32
        %dma_start3A_233 = tpu.memref_slice %arg6[%dma_start3A_219, %dma_start3A_231, %dma_start3A_220, %dma_start3A_232] : memref<6x16x1x1024xf32, #tpu.memory_space<vmem>> -> memref<1x16x1x1024xf32, #tpu.memory_space<vmem>>
        %dma_start3A_234 = tpu.memref_squeeze %dma_start3A_233 : memref<1x16x1x1024xf32, #tpu.memory_space<vmem>> -> memref<16x1024xf32, #tpu.memory_space<vmem>>
        tpu.enqueue_dma source(%dma_start3A_234 : memref<16x1024xf32, #tpu.memory_space<vmem>>) target(%dma_start3A_230 : memref<16x1024xf32, #tpu.memory_space<hbm>>) target_semaphore(%arg17 : memref<!tpu.dma_semaphore, #tpu.memory_space<semaphore_mem>>)
        %mul3A_235 = arith.constant 16 : i32
        %mul3A_236 = arith.muli %add3A_175, %mul3A_235 : i32
        %add3A_237 = arith.addi %mul3A_32, %mul3A_236 : i32
        %dma_wait3A_238 = arith.constant 4 : i32
        %dma_wait3A_239 = arith.constant 0 : i32
        %dma_wait3A_240 = arith.constant 0 : i32
        %dma_wait3A_241 = arith.constant 0 : i32
        %dma_wait3A_242 = tpu.memref_slice %arg6[%dma_wait3A_238, %dma_wait3A_240, %dma_wait3A_239, %dma_wait3A_241] : memref<6x16x1x1024xf32, #tpu.memory_space<vmem>> -> memref<1x16x1x1024xf32, #tpu.memory_space<vmem>>
        %dma_wait3A_243 = tpu.memref_squeeze %dma_wait3A_242 : memref<1x16x1x1024xf32, #tpu.memory_space<vmem>> -> memref<16x1024xf32, #tpu.memory_space<vmem>>
        %dma_wait3A_244 = arith.constant 0 : i32
        %dma_wait3A_245 = tpu.memref_slice %arg4[%select_n3A, %add3A_237, %dma_wait3A_244] : memref<4x8192x1024xf32, #tpu.memory_space<hbm>> -> memref<1x16x1024xf32, #tpu.memory_space<hbm>>
        %dma_wait3A_246 = tpu.memref_squeeze %dma_wait3A_245 : memref<1x16x1024xf32, #tpu.memory_space<hbm>> -> memref<16x1024xf32, #tpu.memory_space<hbm>>
        %dma_wait3A_247 = arith.constant 0 : i32
        %dma_wait3A_248 = tpu.memref_slice %arg4[%select_n3A, %add3A_237, %dma_wait3A_247] : memref<4x8192x1024xf32, #tpu.memory_space<hbm>> -> memref<1x16x1024xf32, #tpu.memory_space<hbm>>
        %dma_wait3A_249 = tpu.memref_squeeze %dma_wait3A_248 : memref<1x16x1024xf32, #tpu.memory_space<hbm>> -> memref<16x1024xf32, #tpu.memory_space<hbm>>
        %dma_wait3A_250 = arith.constant 0 : i32
        %dma_wait3A_251 = arith.constant 0 : i32
        %dma_wait3A_252 = tpu.memref_slice %arg6[%dma_wait3A_238, %dma_wait3A_250, %dma_wait3A_239, %dma_wait3A_251] : memref<6x16x1x1024xf32, #tpu.memory_space<vmem>> -> memref<1x16x1x1024xf32, #tpu.memory_space<vmem>>
        %dma_wait3A_253 = tpu.memref_squeeze %dma_wait3A_252 : memref<1x16x1x1024xf32, #tpu.memory_space<vmem>> -> memref<16x1024xf32, #tpu.memory_space<vmem>>
        tpu.wait_dma2 semaphore(%arg17 : memref<!tpu.dma_semaphore, #tpu.memory_space<semaphore_mem>>) src(%dma_wait3A_253 : memref<16x1024xf32, #tpu.memory_space<vmem>>) dst(%dma_wait3A_249 : memref<16x1024xf32, #tpu.memory_space<hbm>>)
      } else {
      }
      %add3A_181 = arith.constant 6 : i32
      %add3A_182 = arith.addi %add3A_175, %add3A_181 : i32
      %lt3A_183 = arith.constant 64 : i32
      %lt3A_184 = arith.cmpi slt, %add3A_182, %lt3A_183 : i32
      %convert_element_type3A_185 = arith.extui %lt3A_184 : i1 to i32
      %cond3A_186 = arith.constant 0 : i32
      %cond3A_187 = arith.cmpi ne, %convert_element_type3A_185, %cond3A_186 : i32
      scf.if %cond3A_187 {
        %add3A_204 = arith.constant 6 : i32
        %add3A_205 = arith.addi %add3A_175, %add3A_204 : i32
        %mul3A_206 = arith.constant 16 : i32
        %mul3A_207 = arith.muli %add3A_205, %mul3A_206 : i32
        %dma_start3A_208 = arith.constant 4 : i32
        %dma_start3A_209 = arith.constant 0 : i32
        %dma_start3A_210 = arith.constant 0 : i32
        %dma_start3A_211 = arith.constant 0 : i32
        %dma_start3A_212 = tpu.memref_slice %arg6[%dma_start3A_208, %dma_start3A_209, %dma_start3A_210, %dma_start3A_211] : memref<6x16x1x1024xf32, #tpu.memory_space<vmem>> -> memref<1x16x1x1024xf32, #tpu.memory_space<vmem>>
        %dma_start3A_213 = tpu.memref_squeeze %dma_start3A_212 : memref<1x16x1x1024xf32, #tpu.memory_space<vmem>> -> memref<16x1x1024xf32, #tpu.memory_space<vmem>>
        %dma_start3A_214 = tpu.memref_slice %arg5[%mul3A_207] : memref<1024xi32, #tpu.memory_space<vmem>> -> memref<16xi32, #tpu.memory_space<vmem>>
        %dma_start3A_215 = arith.constant 0 : i32
        %dma_start3A_216 = arith.constant 0 : i32
        %dma_start3A_217 = arith.constant 0 : i32
        %dma_start3A_218 = tpu.memref_slice %arg3[%dma_start3A_215, %dma_start3A_216, %dma_start3A_217] : memref<8192x1x1024xf32, #tpu.memory_space<hbm>> -> memref<8192x1x1024xf32, #tpu.memory_space<hbm>>
        tpu.enqueue_indirect_dma source(%dma_start3A_218 : memref<8192x1x1024xf32, #tpu.memory_space<hbm>>) target(%dma_start3A_213 : memref<16x1x1024xf32, #tpu.memory_space<vmem>>) offsets(%dma_start3A_214 : memref<16xi32, #tpu.memory_space<vmem>>) semaphore(%arg11 : memref<!tpu.dma_semaphore, #tpu.memory_space<semaphore_mem>>)
      } else {
      }
      %mul3A_188 = arith.constant 6 : i32
      %mul3A_189 = arith.muli %scan3A_109, %mul3A_188 : i32
      %add3A_190 = arith.constant 5 : i32
      %add3A_191 = arith.addi %mul3A_189, %add3A_190 : i32
      %lt3A_192 = arith.constant 64 : i32
      %lt3A_193 = arith.cmpi slt, %add3A_191, %lt3A_192 : i32
      %convert_element_type3A_194 = arith.extui %lt3A_193 : i1 to i32
      %cond3A_195 = arith.constant 0 : i32
      %cond3A_196 = arith.cmpi ne, %convert_element_type3A_194, %cond3A_195 : i32
      scf.if %cond3A_196 {
        %mul3A_204 = arith.constant 16 : i32
        %mul3A_205 = arith.muli %add3A_191, %mul3A_204 : i32
        %dma_wait3A = arith.constant 5 : i32
        %dma_wait3A_206 = arith.constant 0 : i32
        %dma_wait3A_207 = arith.constant 0 : i32
        %dma_wait3A_208 = arith.constant 0 : i32
        %dma_wait3A_209 = tpu.memref_slice %arg6[%dma_wait3A, %dma_wait3A_206, %dma_wait3A_207, %dma_wait3A_208] : memref<6x16x1x1024xf32, #tpu.memory_space<vmem>> -> memref<1x16x1x1024xf32, #tpu.memory_space<vmem>>
        %dma_wait3A_210 = tpu.memref_squeeze %dma_wait3A_209 : memref<1x16x1x1024xf32, #tpu.memory_space<vmem>> -> memref<16x1x1024xf32, #tpu.memory_space<vmem>>
        %dma_wait3A_211 = tpu.memref_slice %arg5[%mul3A_205] : memref<1024xi32, #tpu.memory_space<vmem>> -> memref<16xi32, #tpu.memory_space<vmem>>
        %dma_wait3A_212 = arith.constant 0 : i32
        %dma_wait3A_213 = arith.constant 0 : i32
        %dma_wait3A_214 = arith.constant 0 : i32
        %dma_wait3A_215 = tpu.memref_slice %arg3[%dma_wait3A_212, %dma_wait3A_213, %dma_wait3A_214] : memref<8192x1x1024xf32, #tpu.memory_space<hbm>> -> memref<8192x1x1024xf32, #tpu.memory_space<hbm>>
        tpu.wait_indirect_dma semaphore(%arg12 : memref<!tpu.dma_semaphore, #tpu.memory_space<semaphore_mem>>) src(%dma_wait3A_215 : memref<8192x1x1024xf32, #tpu.memory_space<hbm>>) dst(%dma_wait3A_210 : memref<16x1x1024xf32, #tpu.memory_space<vmem>>)
        %mul3A_216 = arith.constant 16 : i32
        %mul3A_217 = arith.muli %add3A_191, %mul3A_216 : i32
        %add3A_218 = arith.addi %mul3A_32, %mul3A_217 : i32
        %dma_start3A_219 = arith.constant 5 : i32
        %dma_start3A_220 = arith.constant 0 : i32
        %dma_start3A_221 = arith.constant 0 : i32
        %dma_start3A_222 = arith.constant 0 : i32
        %dma_start3A_223 = tpu.memref_slice %arg6[%dma_start3A_219, %dma_start3A_221, %dma_start3A_220, %dma_start3A_222] : memref<6x16x1x1024xf32, #tpu.memory_space<vmem>> -> memref<1x16x1x1024xf32, #tpu.memory_space<vmem>>
        %dma_start3A_224 = tpu.memref_squeeze %dma_start3A_223 : memref<1x16x1x1024xf32, #tpu.memory_space<vmem>> -> memref<16x1024xf32, #tpu.memory_space<vmem>>
        %dma_start3A_225 = arith.constant 0 : i32
        %dma_start3A_226 = tpu.memref_slice %arg4[%select_n3A, %add3A_218, %dma_start3A_225] : memref<4x8192x1024xf32, #tpu.memory_space<hbm>> -> memref<1x16x1024xf32, #tpu.memory_space<hbm>>
        %dma_start3A_227 = tpu.memref_squeeze %dma_start3A_226 : memref<1x16x1024xf32, #tpu.memory_space<hbm>> -> memref<16x1024xf32, #tpu.memory_space<hbm>>
        %dma_start3A_228 = arith.constant 0 : i32
        %dma_start3A_229 = tpu.memref_slice %arg4[%select_n3A, %add3A_218, %dma_start3A_228] : memref<4x8192x1024xf32, #tpu.memory_space<hbm>> -> memref<1x16x1024xf32, #tpu.memory_space<hbm>>
        %dma_start3A_230 = tpu.memref_squeeze %dma_start3A_229 : memref<1x16x1024xf32, #tpu.memory_space<hbm>> -> memref<16x1024xf32, #tpu.memory_space<hbm>>
        %dma_start3A_231 = arith.constant 0 : i32
        %dma_start3A_232 = arith.constant 0 : i32
        %dma_start3A_233 = tpu.memref_slice %arg6[%dma_start3A_219, %dma_start3A_231, %dma_start3A_220, %dma_start3A_232] : memref<6x16x1x1024xf32, #tpu.memory_space<vmem>> -> memref<1x16x1x1024xf32, #tpu.memory_space<vmem>>
        %dma_start3A_234 = tpu.memref_squeeze %dma_start3A_233 : memref<1x16x1x1024xf32, #tpu.memory_space<vmem>> -> memref<16x1024xf32, #tpu.memory_space<vmem>>
        tpu.enqueue_dma source(%dma_start3A_234 : memref<16x1024xf32, #tpu.memory_space<vmem>>) target(%dma_start3A_230 : memref<16x1024xf32, #tpu.memory_space<hbm>>) target_semaphore(%arg18 : memref<!tpu.dma_semaphore, #tpu.memory_space<semaphore_mem>>)
        %mul3A_235 = arith.constant 16 : i32
        %mul3A_236 = arith.muli %add3A_191, %mul3A_235 : i32
        %add3A_237 = arith.addi %mul3A_32, %mul3A_236 : i32
        %dma_wait3A_238 = arith.constant 5 : i32
        %dma_wait3A_239 = arith.constant 0 : i32
        %dma_wait3A_240 = arith.constant 0 : i32
        %dma_wait3A_241 = arith.constant 0 : i32
        %dma_wait3A_242 = tpu.memref_slice %arg6[%dma_wait3A_238, %dma_wait3A_240, %dma_wait3A_239, %dma_wait3A_241] : memref<6x16x1x1024xf32, #tpu.memory_space<vmem>> -> memref<1x16x1x1024xf32, #tpu.memory_space<vmem>>
        %dma_wait3A_243 = tpu.memref_squeeze %dma_wait3A_242 : memref<1x16x1x1024xf32, #tpu.memory_space<vmem>> -> memref<16x1024xf32, #tpu.memory_space<vmem>>
        %dma_wait3A_244 = arith.constant 0 : i32
        %dma_wait3A_245 = tpu.memref_slice %arg4[%select_n3A, %add3A_237, %dma_wait3A_244] : memref<4x8192x1024xf32, #tpu.memory_space<hbm>> -> memref<1x16x1024xf32, #tpu.memory_space<hbm>>
        %dma_wait3A_246 = tpu.memref_squeeze %dma_wait3A_245 : memref<1x16x1024xf32, #tpu.memory_space<hbm>> -> memref<16x1024xf32, #tpu.memory_space<hbm>>
        %dma_wait3A_247 = arith.constant 0 : i32
        %dma_wait3A_248 = tpu.memref_slice %arg4[%select_n3A, %add3A_237, %dma_wait3A_247] : memref<4x8192x1024xf32, #tpu.memory_space<hbm>> -> memref<1x16x1024xf32, #tpu.memory_space<hbm>>
        %dma_wait3A_249 = tpu.memref_squeeze %dma_wait3A_248 : memref<1x16x1024xf32, #tpu.memory_space<hbm>> -> memref<16x1024xf32, #tpu.memory_space<hbm>>
        %dma_wait3A_250 = arith.constant 0 : i32
        %dma_wait3A_251 = arith.constant 0 : i32
        %dma_wait3A_252 = tpu.memref_slice %arg6[%dma_wait3A_238, %dma_wait3A_250, %dma_wait3A_239, %dma_wait3A_251] : memref<6x16x1x1024xf32, #tpu.memory_space<vmem>> -> memref<1x16x1x1024xf32, #tpu.memory_space<vmem>>
        %dma_wait3A_253 = tpu.memref_squeeze %dma_wait3A_252 : memref<1x16x1x1024xf32, #tpu.memory_space<vmem>> -> memref<16x1024xf32, #tpu.memory_space<vmem>>
        tpu.wait_dma2 semaphore(%arg18 : memref<!tpu.dma_semaphore, #tpu.memory_space<semaphore_mem>>) src(%dma_wait3A_253 : memref<16x1024xf32, #tpu.memory_space<vmem>>) dst(%dma_wait3A_249 : memref<16x1024xf32, #tpu.memory_space<hbm>>)
      } else {
      }
      %add3A_197 = arith.constant 6 : i32
      %add3A_198 = arith.addi %add3A_191, %add3A_197 : i32
      %lt3A_199 = arith.constant 64 : i32
      %lt3A_200 = arith.cmpi slt, %add3A_198, %lt3A_199 : i32
      %convert_element_type3A_201 = arith.extui %lt3A_200 : i1 to i32
      %cond3A_202 = arith.constant 0 : i32
      %cond3A_203 = arith.cmpi ne, %convert_element_type3A_201, %cond3A_202 : i32
      scf.if %cond3A_203 {
        %add3A_204 = arith.constant 6 : i32
        %add3A_205 = arith.addi %add3A_191, %add3A_204 : i32
        %mul3A_206 = arith.constant 16 : i32
        %mul3A_207 = arith.muli %add3A_205, %mul3A_206 : i32
        %dma_start3A_208 = arith.constant 5 : i32
        %dma_start3A_209 = arith.constant 0 : i32
        %dma_start3A_210 = arith.constant 0 : i32
        %dma_start3A_211 = arith.constant 0 : i32
        %dma_start3A_212 = tpu.memref_slice %arg6[%dma_start3A_208, %dma_start3A_209, %dma_start3A_210, %dma_start3A_211] : memref<6x16x1x1024xf32, #tpu.memory_space<vmem>> -> memref<1x16x1x1024xf32, #tpu.memory_space<vmem>>
        %dma_start3A_213 = tpu.memref_squeeze %dma_start3A_212 : memref<1x16x1x1024xf32, #tpu.memory_space<vmem>> -> memref<16x1x1024xf32, #tpu.memory_space<vmem>>
        %dma_start3A_214 = tpu.memref_slice %arg5[%mul3A_207] : memref<1024xi32, #tpu.memory_space<vmem>> -> memref<16xi32, #tpu.memory_space<vmem>>
        %dma_start3A_215 = arith.constant 0 : i32
        %dma_start3A_216 = arith.constant 0 : i32
        %dma_start3A_217 = arith.constant 0 : i32
        %dma_start3A_218 = tpu.memref_slice %arg3[%dma_start3A_215, %dma_start3A_216, %dma_start3A_217] : memref<8192x1x1024xf32, #tpu.memory_space<hbm>> -> memref<8192x1x1024xf32, #tpu.memory_space<hbm>>
        tpu.enqueue_indirect_dma source(%dma_start3A_218 : memref<8192x1x1024xf32, #tpu.memory_space<hbm>>) target(%dma_start3A_213 : memref<16x1x1024xf32, #tpu.memory_space<vmem>>) offsets(%dma_start3A_214 : memref<16xi32, #tpu.memory_space<vmem>>) semaphore(%arg12 : memref<!tpu.dma_semaphore, #tpu.memory_space<semaphore_mem>>)
      } else {
      }
    }
    %scan3A_108 = arith.constant 11 : i32
    return
  }
}

</mosaic_0001>

<sc_bundles>
// kernel: kernel.3.cloned.1.call-start
scs
__scs_entry_jumppad:
0x0: {  	(pc) =	sbr.rel $0x88, $3  }
0x1: {  	(tag) =	ssettag $0x0;
	lr =	simm.s32 $0x1  }
0x2: {  	[smem:$0x3F9F] =	sst lr;
	_ =	strace $0xD0000000  }
0x3: {  	_ = 	snop  }
0x4: {  	_ = 	snop  }
0x5: {  	_ = 	snop  }
0x6: {  	_ = 	snop  }
0x7: {  	_ = 	snop  }
__scs_overlays_trampoline_lowered:
0x8: {  	[smem:$0x3FAE] =	sst s0  }
0x9: {  	[smem:$0x3FAF] =	sst s1  }
0xa: {  	[smem:$0x3FB0] =	sst s2  }
0xb: {  	[smem:$0x3FB1] =	sst s3  }
0xc: {  	[smem:$0x3FB2] =	sst s4  }
0xd: {  	[smem:$0x3FB3] =	sst s5  }
0xe: {  	[smem:$0x3FB4] =	sst s6  }
0xf: {  	[smem:$0x3FB5] =	sst s7  }
0x10: {  	[smem:$0x3FB6] =	sst s8  }
0x11: {  	[smem:$0x3FB7] =	sst s9;
	s0 =	simm.s32 @!p0 $0x0  }
0x12: {  	s1 =	sld [smem:$0x3F9D];
	s0 =	simm.s32 @p0 $0x1  }
0x13: {  	[smem:$0x3FB8] =	sst s0;
	s0 =	simm.s32 @!p1 $0x0  }
0x14: {  	s2 =	sld [smem:$0x3F9C];
	s0 =	simm.s32 @p1 $0x1  }
0x15: {  	[smem:$0x3FB9] =	sst s0;
	s0 =	simm.s32 @!p2 $0x0  }
0x16: {  	s3 =	sld [smem:$0x3FDB];
	s0 =	simm.s32 @p2 $0x1  }
0x17: {  	s4 =	simm.s32 $0x1BF5;
	[smem:$0x3FBB] =	sst s0  }
0x18: {  	s0 =	sld [smem:$0x3F9E];
	_ =	swait.ge [sflag:s4], $0x0  }
0x19: {  	s7 =	sld [smem:$0x3F9F]  }
0x1a: {  	s8 =	sadd.s32 $0xFFFFE003, lr  }
0x1b: {  	s9 =	sadd.s32 $0xFFFFFEF7, lr;
	s5 =	simm.s32 $0xFFFFFFFF;
	p2 =	slt.u32 s8, $0xFFFFF086  }
0x1c: {  	p1 =	slt.u32 s9, $0xF7A;
	s5 =	simm.s32 @!p2 $0x0  }
0x1d: {  	s5 =	simm.s32 @p1 $0x1;
	p0 =	seq.s32 s7, s2  }
0x1e: {  	s7 =	smul.u32 @!p0 $0xF7A, s2;
	p2 =	seq.s32 @!p0 s5, $0x0  }
0x1f: {  	s9 =	smul.u32 $0xF7A, s1;
	s8 =	simm.s32 @!p0 $0x1BF5;
	p2 =	por !p2, p0  }
0x20: {  	[sflag:s8] =	ssyncset.s32 @!p0 $0xFFFFF086;
	s6 =	sadd.s32 @!p0 s3, s7;
	s7 =	simm.s32 @!p0 $0x108  }
0x21: {  	s3 =	sadd.s32 s3, s9;
	s6 =	sadd.s32 @!p0 $0x88, s6;
	s7 =	simm.s32 @p2 $0x1082  }
0x22: {  	[simem:s7], [sflag:s8] =	dma.local @!p0 [hbm:s6], $0xF7A  }
0x23: {  	s9 =	sor.u32 $0xD0000000, s2;
	s6 =	simm.s32 $0x108;
	_ =	swait.ge @!p0 [sflag:s8], $0x0  }
0x24: {  	s3 =	sadd.s32 $0x88, s3;
	s6 =	simm.s32 @!p1 $0x1082;
	[sflag:s4] =	ssyncset.s32 $0xFFFFF086  }
0x25: {  	[simem:s6], [sflag:s4] =	dma.local [hbm:s3], $0xF7A  }
0x26: {  	[smem:$0x3F9F] =	sst s1;
	(tag) =	ssettag s2;
	_ =	strace s9  }
0x27: {  	s1 =	sld [smem:$0x3FAF]  }
0x28: {  	s2 =	sld [smem:$0x3FB0]  }
0x29: {  	s4 =	sld [smem:$0x3FB2]  }
0x2a: {  	p0 =	seq.s32 s5, $0x0;
	s5 =	sld [smem:$0x3FB3]  }
0x2b: {  	s6 =	sld [smem:$0x3FB4]  }
0x2c: {  	s7 =	sld [smem:$0x3FB5]  }
0x2d: {  	s3 =	simm.s32 $0x108;
	s8 =	sld [smem:$0x3FB6]  }
0x2e: {  	s3 =	simm.s32 @!p0 $0x1082;
	s9 =	sld [smem:$0x3FB7]  }
0x2f: {  	lr =	sadd.s32 s0, s3;
	s0 =	sld [smem:$0x3FAE]  }
0x30: {  	s3 =	sld [smem:$0x3FB1]  }
0x31: {  	[smem:$0x3FBA] =	sst s10  }
0x32: {  	s10 =	sld [smem:$0x3FB8];
	_ =	sdelay $0x3  }
0x33: {  	p0 =	seq.s32 s10, $0x1;
	s10 =	sld [smem:$0x3FBA];
	_ =	sdelay $0x3  }
0x34: {  	[smem:$0x3FBA] =	sst s10  }
0x35: {  	s10 =	sld [smem:$0x3FB9];
	_ =	sdelay $0x3  }
0x36: {  	p1 =	seq.s32 s10, $0x1;
	s10 =	sld [smem:$0x3FBA];
	_ =	sdelay $0x3  }
0x37: {  	[smem:$0x3FBA] =	sst s10  }
0x38: {  	s10 =	sld [smem:$0x3FBB]  }
0x39: {  	_ = 	snop;
	(pc) =	sbr.ind lr, $3  }
0x3a: {  	_ = 	snop  }
0x3b: {  	_ = 	snop  }
0x3c: {  	p2 =	seq.s32 s10, $0x1;
	s10 =	sld [smem:$0x3FBA]  }
0x3d: {  	_ =	shalt  }
0x3e: {  	_ =	shalt  }
0x3f: {  	_ =	shalt  }
0x40: {  	_ =	shalt  }
0x41: {  	_ =	shalt  }
0x42: {  	_ =	shalt  }
0x43: {  	_ =	shalt  }
0x44: {  	_ =	shalt  }
0x45: {  	_ =	shalt  }
0x46: {  	_ =	shalt  }
0x47: {  	_ =	shalt  }
0x48: {  	_ =	shalt  }
0x49: {  	_ =	shalt  }
0x4a: {  	_ =	shalt  }
0x4b: {  	_ =	shalt  }
0x4c: {  	_ =	shalt  }
0x4d: {  	_ =	shalt  }
0x4e: {  	_ =	shalt  }
0x4f: {  	_ =	shalt  }
0x50: {  	_ =	shalt  }
0x51: {  	_ =	shalt  }
0x52: {  	_ =	shalt  }
0x53: {  	_ =	shalt  }
0x54: {  	_ =	shalt  }
0x55: {  	_ =	shalt  }
0x56: {  	_ =	shalt  }
0x57: {  	_ =	shalt  }
0x58: {  	_ =	shalt  }
0x59: {  	_ =	shalt  }
0x5a: {  	_ =	shalt  }
0x5b: {  	_ =	shalt  }
0x5c: {  	_ =	shalt  }
0x5d: {  	_ =	shalt  }
0x5e: {  	_ =	shalt  }
0x5f: {  	_ =	shalt  }
0x60: {  	_ =	shalt  }
0x61: {  	_ =	shalt  }
0x62: {  	_ =	shalt  }
0x63: {  	_ =	shalt  }
0x64: {  	_ =	shalt  }
0x65: {  	_ =	shalt  }
0x66: {  	_ =	shalt  }
0x67: {  	_ =	shalt  }
0x68: {  	_ =	shalt  }
0x69: {  	_ =	shalt  }
0x6a: {  	_ =	shalt  }
0x6b: {  	_ =	shalt  }
0x6c: {  	_ =	shalt  }
0x6d: {  	_ =	shalt  }
0x6e: {  	_ =	shalt  }
0x6f: {  	_ =	shalt  }
0x70: {  	_ =	shalt  }
0x71: {  	_ =	shalt  }
0x72: {  	_ =	shalt  }
0x73: {  	_ =	shalt  }
0x74: {  	_ =	shalt  }
0x75: {  	_ =	shalt  }
0x76: {  	_ =	shalt  }
0x77: {  	_ =	shalt  }
0x78: {  	_ =	shalt  }
0x79: {  	_ =	shalt  }
0x7a: {  	_ =	shalt  }
0x7b: {  	_ =	shalt  }
0x7c: {  	_ =	shalt  }
0x7d: {  	_ =	shalt  }
0x7e: {  	_ =	shalt  }
0x7f: {  	_ =	shalt  }
0x80: {  	_ =	shalt  }
0x81: {  	_ =	shalt  }
0x82: {  	_ =	shalt  }
0x83: {  	_ =	shalt  }
0x84: {  	_ =	shalt  }
0x85: {  	_ =	shalt  }
0x86: {  	_ =	shalt  }
0x87: {  	_ =	shalt  }
.Lfunc_end0:
.L_simem_size_0:
called_computation_lowered:
.L_overlay_start_0:
0x88: {  	s2 =	sld [smem:$0x3FD9]  }
0x89: {  	s3 =	sld [smem:$0x3FFE];
	_ =	sdelay $0x1  }
0x8a: {  	s1 =	srdreg.scid  }
0x8b: {  	s0 =	sand.u32 $0x1, s1  }
0x8c: {  	s18 =	sshll.u32 s0, $0xA;
	s2 =	sadd.s32 s3, s2  }
0x8d: {  	s2 =	sadd.s32 s2, s18  }
0x8e: {  	[smem:$0x3FC6] =	sst s2  }
0x8f: {  	_ = 	snop  }
0x90: {  	s2 =	sld [smem:$0x3FC9]  }
0x91: {  	s19 =	sld [smem:$0x3FC8]  }
0x92: {  	s4 =	sld [smem:$0x3FD0];
	(tm) =	ssettm $0x1  }
0x93: {  	s5 =	sld [smem:$0x3FFB];
	_ =	sdelay $0x3  }
0x94: {  	_ =	strace s5  }
0x95: {  	s5 =	sld [smem:$0x3FFC];
	_ =	sdelay $0x3  }
0x96: {  	_ =	strace s5  }
0x97: {  	s5 =	sld [smem:$0x3FFD];
	_ =	sdelay $0x3  }
0x98: {  	_ =	strace s5  }
0x99: {  	_ =	strace $0x8FFFFFFF  }
0x9a: {  	s20 =	sld [smem:$0x3FDB];
	_ =	sdelay $0x1  }
0x9b: {  	s6 =	simm.s32 $_scs_section_size  }
0x9c: {  	s7 =	simm.s32 $_size__tile_overlayer_lowered;
	s8 =	simm.s32 $_tile_overlayer_lowered  }
0x9d: {  	s23 =	simm.s32 $0x1BFF;
	s22 =	sshll.u32 s8, $0x1;
	s5 =	sadd.s32 s6, s20  }
0x9e: {  	s9 =	simm.s32 $0x0;
	s21 =	sshll.u32 s7, $0x1;
	s7 =	sadd.s32 s22, s5  }
0x9f: {  	[timem:s9], [sflag:s23] =	dma.local [hbm:s7], s21  }
0xa0: {  	_ =	swait.ge [sflag:s23], s21  }
0xa1: {  	s6 =	ssub.s32 $0x0, s21;
	[sflag:s23] =	ssyncset.done $0x0  }
0xa2: {  	[sflag:s23] =	ssyncadd.s32 s6;
	_ =	sdelay $0x1  }
0xa3: {  	s24 =	simm.s32 $0x1B8B  }
0xa4: {  	_ =	swait.ge [sflag:s24], $0x1  }
0xa5: {  	[sflag:s24] =	ssyncset.done $0x0  }
0xa6: {  	s25 =	simm.s32 $0x1B8E;
	[sflag:s24] =	ssyncadd.s32 $0xFFFFFFFF  }
0xa7: {  	s26 =	simm.s32 $execute0_lowered;
	[smem:$0x3FD2] =	sst s25  }
0xa8: {  	s6 =	sshll.u32 s26, $0x1;
	_ =	strace $0x80000046;
	[dreg:$0x1] =	wrdreg $0xFFFFFFFF  }
0xa9: {  	s28 =	simm.s32 $_size_execute0_lowered;
	s5 =	sadd.s32 s5, s6;
	[dreg:$0x0] =	wrdreg $0x0  }
0xaa: {  	s6 =	sshll.u32 s28, $0x1;
	[dreg:$0x2] =	wrdreg s5  }
0xab: {  	[dreg:$0x3] =	wrdreg s6  }
0xac: {  	[dreg:$0x4] =	wrdreg $0xC0  }
0xad: {  	_ =	task [dreg:s9], $0x5FFFF  }
0xae: {  	[dreg:$0x1] =	wrdreg $0xFFFFFFFF  }
0xaf: {  	[dreg:$0x0] =	wrdreg $0x60  }
0xb0: {  	[dreg:$0x2] =	wrdreg s2  }
0xb1: {  	[dreg:$0x3] =	wrdreg s19  }
0xb2: {  	[dreg:$0x4] =	wrdreg s4  }
0xb3: {  	[dreg:$0x5] =	wrdreg $0x9  }
0xb4: {  	_ =	task.clear_ibuf [dreg:s9], $0x6FFFF;
	_ =	strace $0x90000046  }
0xb5: {  	s29 =	simm.s32 $0x9;
	_ =	strace $0x80000048  }
0xb6: {  	_ =	swait.ge [sflag:s29], $0x1  }
0xb7: {  	[sflag:s29] =	ssyncadd.s32 $0xFFFFFFFF  }
0xb8: {  	_ =	strace $0x90000048  }
0xb9: {  	_ =	sfence  }
0xba: {  	s30 =	sld [smem:$0x0];
	_ =	sdelay $0x2  }
0xbb: {  	s31 =	sshll.u32 s1, $0xD;
	s1 =	sshrl.u32 s1, $0x2  }
0xbc: {  	s3 =	sand.u32 $0x4000, s31;
	s1 =	sadd.s32 s1, s30  }
0xbd: {  	s0 =	sor.u32 s3, s0;
	s1 =	sshll.u32 s1, $0x11  }
0xbe: {  	s0 =	sor.u32 s1, s0  }
0xbf: {  	s0 =	sadd.s32 $0x8F2B, s0  }
0xc0: {  	[sflag:s0] =	ssyncadd.remote.s32 $0x1  }
0xc1: {  	_ =	sfence.sel $0xFFFF  }
0xc2: {  	[dreg:$0x0] =	wrdreg $0xFFFFFFFF;
	(pc) =	sbr.abs _section_cstart, $3  }
0xc3: {  	[dreg:$0x1] =	wrdreg $0xFFFFFFFF  }
0xc4: {  	_ =	task.clear_ibuf [dreg:s9], $0x2FFFF;
	_ =	strace $0x9FFFFFFF  }
0xc5: {  	(tm) =	ssettm $0x7FFFFFFF  }
tec
execute0_lowered:
.L_overlay_start_1:
0x0: {  	(tag) =	ssettag $0x1  }
0x1: {  	s0 =	rddreg [dreg:$0x0]  }
0x2: {  	s1 =	rddreg [dreg:$0x1]  }
0x3: {  	s2 =	rddreg [dreg:$0x2];
	s3 =	srdreg.scid  }
0x4: {  	s4 =	simm.s32 $0x0;
	s8 =	stileid.u32;
	s12 =	simm.s32 $0x80  }
0x5: {  	s15 =	simm.s32 $0x10;
	s13 =	simm.s32 $0x4;
	s29 =	simm.s32 $0xA  }
0x6: {  	s30 =	simm.s32 $0x5;
	s3 =	sand.u32 $0x1, s3;
	[smem:$0x7FF] =	sst s4  }
0x7: {  	s6 =	sshll.u32 s8, $0x1;
	s7 =	sshrl.u32 s8, $0x2;
	s8 =	sand.u32 $0x3, s8  }
0x8: {  	s16 =	ssub.s32 $0x2, s3;
	_ =	strace $0x80000047;
	s6 =	sand.u32 $0x6, s6  }
0x9: {  	s9 =	sshll.u32 s7, $0x17;
	s10 =	sshll.u32 s8, $0x15;
	s11 =	sshll.u32 s7, $0x4  }
0xa: {  	s17 =	sshll.u32 s3, $0x14;
	s19 =	sshll.u32 s7, $0x14;
	s26 =	sshll.u32 s8, $0x12  }
0xb: {  	s7 =	simm.s32 $0x7;
	s8 =	simm.s32 $0x2;
	s5 =	sshrl.u32 s16, $0x1  }
0xc: {  	s6 =	sor.u32 s3, s6;
	s9 =	sor.u32 s10, s9;
	s0 =	sadd.s32 s0, s11  }
0xd: {  	s3 =	sshll.u32 s3, $0x11;
	s6 =	sshll.u32 s6, $0x9;
	s9 =	sor.u32 s17, s9  }
0xe: {  	s4 =	ssub.s32 s16, s5;
	s5 =	sadd.s32 s19, s2;
	s16 =	simm.s32 $0x400  }
0xf: {  	s17 =	simm.s32 $0x17C00;
	s19 =	simm.s32 $0x18000;
	s0 =	sadd.s32 s6, s0  }
0x10: {  	s18 =	sor.u32 $0x14000, s9;
	s4 =	smax.u32 s4, $0x1;
	s20 =	sor.u32 $0x10000, s9  }
0x11: {  	s21 =	sor.u32 $0xC000, s9;
	s22 =	sor.u32 $0x8000, s9;
	s25 =	sor.u32 $0x4000, s9  }
0x12: {  	s5 =	sadd.s32 s26, s5;
	s26 =	simm.s32 $0x1;
	[dreg:$0x4] =	wrdreg s0  }
0x13: {  	s9 =	simm.s32 $0x6;
	[dreg:$0x5] =	wrdreg s4;
	s0 =	sshrl.u32 s18, $0x3  }
0x14: {  	s4 =	sshrl.u32 s21, $0x3;
	s24 =	sshrl.u32 s22, $0x3;
	s31 =	sadd.s32 s3, s5  }
0x15: {  	s21 =	simm.s32 $0xC400;
	s3 =	simm.s32 $0x0;
	s0 =	sadd.s32 s0, s2  }
0x16: {  	s23 =	sadd.s32 s4, s2;
	s4 =	sshrl.u32 s25, $0x3;
	[dreg:$0xb] =	wrdreg s31  }
.Ltmp0:
0x17: {  	s25 =	simm.s32 $0x3;
	[dreg:$0x6] =	wrdreg s0;
	(pc) =	sbr.rel .LBB2_1-.Ltmp0, $4  }
0x18: {  	s0 =	sshrl.u32 s20, $0x3;
	[dreg:$0x8] =	wrdreg s23;
	s28 =	sadd.s32 s4, s2  }
0x19: {  	s20 =	simm.s32 $0xB;
	s0 =	sadd.s32 s0, s2;
	[dreg:$0xa] =	wrdreg s28  }
0x1a: {  	s23 =	simm.s32 $0xC;
	[dreg:$0x7] =	wrdreg s0;
	s0 =	sadd.s32 s24, s2  }
0x1b: {  	s24 =	simm.s32 $0x8;
	s2 =	simm.s32 $0x9;
	[dreg:$0x9] =	wrdreg s0  }
.LBB2_4:
0x1c: {  	s3 =	rddreg [dreg:$0xc]  }
0x1d: {  	s0 =	rddreg [dreg:$0x5];
	s3 =	sadd.s32 $0x1, s3  }
0x1e: {  	p0 =	sne.s32 s3, s0  }
.Ltmp1:
0x1f: {  	_ = 	snop;
	(pc) =	sbr.rel @!p0 .LBB2_5-.Ltmp1, $1  }
0x20: {  	_ =	sdelay $0x3  }
.LBB2_1:
0x21: {  	[dreg:$0xc] =	wrdreg s3;
	s0 =	simm.s32 $0x0  }
0x22: {  	s18 =	rddreg [dreg:$0x4];
	s4 =	simm.s32 $0x200;
	s22 =	simm.s32 $0xD  }
0x23: {  	[tilespmem:s0], [sflag:$0xD] =	stream.strided.gather [hbm4b:s18+s12], $0x400, s4, s12, $0x38;
	[tilespmem:$0x18400] =	vst v63  }
0x24: {  	_ =	swait.ge [sflag:s22], $0x400  }
0x25: {  	[sflag:s22] =	ssyncset.done $0x0  }
0x26: {  	[sflag:s22] =	ssyncadd.s32 $0xFFFFFC00  }
0x27: {  	[tilespmem:s16], [sflag:$0x1] =	stream.indirect.gather [hbm4b:s1+s15], $0x400, s0, s15, $0xb8;
	[tilespmem:$0x18400] =	vst v63  }
0x28: {  	s4 =	simm.s32 $0x4400  }
0x29: {  	[tilespmem:s4], [sflag:$0x2] =	stream.indirect.gather [hbm4b:s1+s15], $0x400, s15, s15, $0xb8;
	[tilespmem:$0x18400] =	vst v63  }
0x2a: {  	s5 =	simm.s32 $0x20;
	s6 =	simm.s32 $0x8400;
	s3 =	rddreg [dreg:$0x8]  }
0x2b: {  	[tilespmem:s6], [sflag:$0x3] =	stream.indirect.gather [hbm4b:s1+s15], $0x400, s5, s15, $0xb8;
	[tilespmem:$0x18400] =	vst v63  }
0x2c: {  	s10 =	simm.s32 $0x30;
	s4 =	rddreg [dreg:$0x6]  }
0x2d: {  	[tilespmem:s21], [sflag:$0x4] =	stream.indirect.gather [hbm4b:s1+s15], $0x400, s10, s15, $0xb8;
	[tilespmem:$0x18400] =	vst v63  }
0x2e: {  	s11 =	simm.s32 $0x40;
	s14 =	simm.s32 $0x10400;
	s10 =	rddreg [dreg:$0xb]  }
0x2f: {  	[tilespmem:s14], [sflag:$0x5] =	stream.indirect.gather [hbm4b:s1+s15], $0x400, s11, s15, $0xb8;
	[tilespmem:$0x18400] =	vst v63  }
0x30: {  	s11 =	rddreg [dreg:$0x9]  }
0x31: {  	s18 =	simm.s32 $0x50;
	s22 =	simm.s32 $0x14400;
	s14 =	rddreg [dreg:$0x7]  }
0x32: {  	[tilespmem:s22], [sflag:$0x6] =	stream.indirect.gather [hbm4b:s1+s15], $0x400, s18, s15, $0xb8;
	[tilespmem:$0x18400] =	vst v63  }
0x33: {  	s28 =	simm.s32 $0x0;
	s31 =	simm.s32 $0x0;
	s22 =	rddreg [dreg:$0xa]  }
.LBB2_2:
0x34: {  	_ =	swait.ge [sflag:s26], $0x4000  }
0x35: {  	[sflag:s26] =	ssyncset.done $0x0  }
0x36: {  	[sflag:s26] =	ssyncadd.s32 $0xFFFFC000  }
0x37: {  	[hbm4b:s10+s12] =	stream.strided.scatter [tilespmem:s16], [sflag:$0x7], $0x400, s16, s12, $0x38;
	[tilespmem:$0x18400] =	vst v63  }
0x38: {  	s0 =	sadd.s32 $0x10, s10;
	s5 =	simm.s32 $0x800  }
0x39: {  	[hbm4b:s0+s12] =	stream.strided.scatter [tilespmem:s5], [sflag:$0x7], $0x400, s16, s12, $0x38;
	[tilespmem:$0x18400] =	vst v63  }
0x3a: {  	s6 =	sadd.s32 $0x20, s10;
	s18 =	simm.s32 $0xC00  }
0x3b: {  	[hbm4b:s6+s12] =	stream.strided.scatter [tilespmem:s18], [sflag:$0x7], $0x400, s16, s12, $0x38;
	[tilespmem:$0x18400] =	vst v63  }
0x3c: {  	s6 =	sadd.s32 $0x30, s10;
	s18 =	simm.s32 $0x1000  }
0x3d: {  	[hbm4b:s6+s12] =	stream.strided.scatter [tilespmem:s18], [sflag:$0x7], $0x400, s16, s12, $0x38;
	[tilespmem:$0x18400] =	vst v63  }
0x3e: {  	s6 =	sadd.s32 $0x40, s10;
	s18 =	simm.s32 $0x1400  }
0x3f: {  	[hbm4b:s6+s12] =	stream.strided.scatter [tilespmem:s18], [sflag:$0x7], $0x400, s16, s12, $0x38;
	[tilespmem:$0x18400] =	vst v63  }
0x40: {  	s6 =	sadd.s32 $0x50, s10;
	s18 =	simm.s32 $0x1800  }
0x41: {  	[hbm4b:s6+s12] =	stream.strided.scatter [tilespmem:s18], [sflag:$0x7], $0x400, s16, s12, $0x38;
	[tilespmem:$0x18400] =	vst v63  }
0x42: {  	s6 =	sadd.s32 $0x60, s10;
	s18 =	simm.s32 $0x1C00  }
0x43: {  	[hbm4b:s6+s12] =	stream.strided.scatter [tilespmem:s18], [sflag:$0x7], $0x400, s16, s12, $0x38;
	[tilespmem:$0x18400] =	vst v63  }
0x44: {  	s6 =	sadd.s32 $0x70, s10;
	s18 =	simm.s32 $0x2000  }
0x45: {  	[hbm4b:s6+s12] =	stream.strided.scatter [tilespmem:s18], [sflag:$0x7], $0x400, s16, s12, $0x38;
	[tilespmem:$0x18400] =	vst v63  }
0x46: {  	s6 =	sadd.s32 $0x400, s10;
	s18 =	simm.s32 $0x2400  }
0x47: {  	[hbm4b:s6+s12] =	stream.strided.scatter [tilespmem:s18], [sflag:$0x7], $0x400, s16, s12, $0x38;
	[tilespmem:$0x18400] =	vst v63  }
0x48: {  	s6 =	sadd.s32 $0x410, s10;
	s18 =	simm.s32 $0x2800  }
0x49: {  	[hbm4b:s6+s12] =	stream.strided.scatter [tilespmem:s18], [sflag:$0x7], $0x400, s16, s12, $0x38;
	[tilespmem:$0x18400] =	vst v63  }
0x4a: {  	s6 =	sadd.s32 $0x420, s10;
	s18 =	simm.s32 $0x2C00  }
0x4b: {  	[hbm4b:s6+s12] =	stream.strided.scatter [tilespmem:s18], [sflag:$0x7], $0x400, s16, s12, $0x38;
	[tilespmem:$0x18400] =	vst v63  }
0x4c: {  	s6 =	sadd.s32 $0x430, s10;
	s18 =	simm.s32 $0x3000  }
0x4d: {  	[hbm4b:s6+s12] =	stream.strided.scatter [tilespmem:s18], [sflag:$0x7], $0x400, s16, s12, $0x38;
	[tilespmem:$0x18400] =	vst v63  }
0x4e: {  	s6 =	sadd.s32 $0x440, s10;
	s18 =	simm.s32 $0x3400  }
0x4f: {  	[hbm4b:s6+s12] =	stream.strided.scatter [tilespmem:s18], [sflag:$0x7], $0x400, s16, s12, $0x38;
	[tilespmem:$0x18400] =	vst v63  }
0x50: {  	s6 =	sadd.s32 $0x450, s10;
	s18 =	simm.s32 $0x3800  }
0x51: {  	[hbm4b:s6+s12] =	stream.strided.scatter [tilespmem:s18], [sflag:$0x7], $0x400, s16, s12, $0x38;
	[tilespmem:$0x18400] =	vst v63  }
0x52: {  	s6 =	sadd.s32 $0x460, s10;
	s18 =	simm.s32 $0x3C00  }
0x53: {  	[hbm4b:s6+s12] =	stream.strided.scatter [tilespmem:s18], [sflag:$0x7], $0x400, s16, s12, $0x38;
	[tilespmem:$0x18400] =	vst v63  }
0x54: {  	s5 =	sadd.s32 $0x470, s10;
	s6 =	simm.s32 $0x4000  }
0x55: {  	[hbm4b:s5+s12] =	stream.strided.scatter [tilespmem:s6], [sflag:$0x7], $0x400, s16, s12, $0x38;
	[tilespmem:$0x18400] =	vst v63  }
0x56: {  	p0 =	seq.s32 s28, $0xF00;
	_ =	swait.ge [sflag:s7], $0x4000  }
0x57: {  	s0 =	simm.s32 @!p0 $0x10;
	s5 =	sshra.s32 @!p0 s28, $0x2;
	[sflag:s7] =	ssyncset.done $0x0  }
0x58: {  	s18 =	simm.s32 @!p0 $0x400;
	s6 =	sadd.s32 @!p0 $0x60, s5;
	[sflag:s7] =	ssyncadd.s32 $0xFFFFC000  }
0x59: {  	[tilespmem:s18], [sflag:$0x1] =	stream.indirect.gather @!p0 [hbm4b:s1+s0], $0x400, s6, s0, $0xb8;
	[tilespmem:$0x18400] =	vst v63  }
0x5a: {  	_ =	swait.ge [sflag:s8], $0x4000  }
0x5b: {  	[sflag:s8] =	ssyncset.done $0x0  }
0x5c: {  	s18 =	simm.s32 $0x4400;
	[sflag:s8] =	ssyncadd.s32 $0xFFFFC000  }
0x5d: {  	[hbm4b:s22+s12] =	stream.strided.scatter [tilespmem:s18], [sflag:$0x8], $0x400, s16, s12, $0x38;
	[tilespmem:$0x18400] =	vst v63  }
0x5e: {  	s6 =	sadd.s32 $0x10, s22;
	s18 =	simm.s32 $0x4800  }
0x5f: {  	[hbm4b:s6+s12] =	stream.strided.scatter [tilespmem:s18], [sflag:$0x8], $0x400, s16, s12, $0x38;
	[tilespmem:$0x18400] =	vst v63  }
0x60: {  	s6 =	sadd.s32 $0x20, s22;
	s18 =	simm.s32 $0x4C00  }
0x61: {  	[hbm4b:s6+s12] =	stream.strided.scatter [tilespmem:s18], [sflag:$0x8], $0x400, s16, s12, $0x38;
	[tilespmem:$0x18400] =	vst v63  }
0x62: {  	s6 =	sadd.s32 $0x30, s22;
	s18 =	simm.s32 $0x5000  }
0x63: {  	[hbm4b:s6+s12] =	stream.strided.scatter [tilespmem:s18], [sflag:$0x8], $0x400, s16, s12, $0x38;
	[tilespmem:$0x18400] =	vst v63  }
0x64: {  	s6 =	sadd.s32 $0x40, s22;
	s18 =	simm.s32 $0x5400  }
0x65: {  	[hbm4b:s6+s12] =	stream.strided.scatter [tilespmem:s18], [sflag:$0x8], $0x400, s16, s12, $0x38;
	[tilespmem:$0x18400] =	vst v63  }
0x66: {  	s6 =	sadd.s32 $0x50, s22;
	s18 =	simm.s32 $0x5800  }
0x67: {  	[hbm4b:s6+s12] =	stream.strided.scatter [tilespmem:s18], [sflag:$0x8], $0x400, s16, s12, $0x38;
	[tilespmem:$0x18400] =	vst v63  }
0x68: {  	s6 =	sadd.s32 $0x60, s22;
	s18 =	simm.s32 $0x5C00  }
0x69: {  	[hbm4b:s6+s12] =	stream.strided.scatter [tilespmem:s18], [sflag:$0x8], $0x400, s16, s12, $0x38;
	[tilespmem:$0x18400] =	vst v63  }
0x6a: {  	s6 =	sadd.s32 $0x70, s22;
	s18 =	simm.s32 $0x6000  }
0x6b: {  	[hbm4b:s6+s12] =	stream.strided.scatter [tilespmem:s18], [sflag:$0x8], $0x400, s16, s12, $0x38;
	[tilespmem:$0x18400] =	vst v63  }
0x6c: {  	s6 =	sadd.s32 $0x400, s22;
	s18 =	simm.s32 $0x6400  }
0x6d: {  	[hbm4b:s6+s12] =	stream.strided.scatter [tilespmem:s18], [sflag:$0x8], $0x400, s16, s12, $0x38;
	[tilespmem:$0x18400] =	vst v63  }
0x6e: {  	s6 =	sadd.s32 $0x410, s22;
	s18 =	simm.s32 $0x6800  }
0x6f: {  	[hbm4b:s6+s12] =	stream.strided.scatter [tilespmem:s18], [sflag:$0x8], $0x400, s16, s12, $0x38;
	[tilespmem:$0x18400] =	vst v63  }
0x70: {  	s6 =	sadd.s32 $0x420, s22;
	s18 =	simm.s32 $0x6C00  }
0x71: {  	[hbm4b:s6+s12] =	stream.strided.scatter [tilespmem:s18], [sflag:$0x8], $0x400, s16, s12, $0x38;
	[tilespmem:$0x18400] =	vst v63  }
0x72: {  	s6 =	sadd.s32 $0x430, s22;
	s18 =	simm.s32 $0x7000  }
0x73: {  	[hbm4b:s6+s12] =	stream.strided.scatter [tilespmem:s18], [sflag:$0x8], $0x400, s16, s12, $0x38;
	[tilespmem:$0x18400] =	vst v63  }
0x74: {  	s6 =	sadd.s32 $0x440, s22;
	s18 =	simm.s32 $0x7400  }
0x75: {  	[hbm4b:s6+s12] =	stream.strided.scatter [tilespmem:s18], [sflag:$0x8], $0x400, s16, s12, $0x38;
	[tilespmem:$0x18400] =	vst v63  }
0x76: {  	s6 =	sadd.s32 $0x450, s22;
	s18 =	simm.s32 $0x7800  }
0x77: {  	[hbm4b:s6+s12] =	stream.strided.scatter [tilespmem:s18], [sflag:$0x8], $0x400, s16, s12, $0x38;
	[tilespmem:$0x18400] =	vst v63  }
0x78: {  	s6 =	sadd.s32 $0x460, s22;
	s18 =	simm.s32 $0x7C00  }
0x79: {  	[hbm4b:s6+s12] =	stream.strided.scatter [tilespmem:s18], [sflag:$0x8], $0x400, s16, s12, $0x38;
	[tilespmem:$0x18400] =	vst v63  }
0x7a: {  	s6 =	sadd.s32 $0x470, s22;
	s18 =	simm.s32 $0x8000  }
0x7b: {  	[hbm4b:s6+s12] =	stream.strided.scatter [tilespmem:s18], [sflag:$0x8], $0x400, s16, s12, $0x38;
	[tilespmem:$0x18400] =	vst v63  }
0x7c: {  	_ =	swait.ge [sflag:s24], $0x4000  }
0x7d: {  	[sflag:s24] =	ssyncset.done $0x0  }
0x7e: {  	s6 =	sadd.s32 @!p0 $0x70, s5;
	s18 =	simm.s32 @!p0 $0x4400;
	[sflag:s24] =	ssyncadd.s32 $0xFFFFC000  }
0x7f: {  	[tilespmem:s18], [sflag:$0x2] =	stream.indirect.gather @!p0 [hbm4b:s1+s0], $0x400, s6, s0, $0xb8;
	[tilespmem:$0x18400] =	vst v63  }
0x80: {  	_ =	swait.ge [sflag:s25], $0x4000  }
0x81: {  	[sflag:s25] =	ssyncset.done $0x0  }
0x82: {  	s18 =	simm.s32 $0x8400;
	[sflag:s25] =	ssyncadd.s32 $0xFFFFC000  }
0x83: {  	[hbm4b:s11+s12] =	stream.strided.scatter [tilespmem:s18], [sflag:$0x9], $0x400, s16, s12, $0x38;
	[tilespmem:$0x18400] =	vst v63  }
0x84: {  	s6 =	sadd.s32 $0x10, s11;
	s18 =	simm.s32 $0x8800  }
0x85: {  	[hbm4b:s6+s12] =	stream.strided.scatter [tilespmem:s18], [sflag:$0x9], $0x400, s16, s12, $0x38;
	[tilespmem:$0x18400] =	vst v63  }
0x86: {  	s6 =	sadd.s32 $0x20, s11;
	s18 =	simm.s32 $0x8C00  }
0x87: {  	[hbm4b:s6+s12] =	stream.strided.scatter [tilespmem:s18], [sflag:$0x9], $0x400, s16, s12, $0x38;
	[tilespmem:$0x18400] =	vst v63  }
0x88: {  	s6 =	sadd.s32 $0x30, s11;
	s18 =	simm.s32 $0x9000  }
0x89: {  	[hbm4b:s6+s12] =	stream.strided.scatter [tilespmem:s18], [sflag:$0x9], $0x400, s16, s12, $0x38;
	[tilespmem:$0x18400] =	vst v63  }
0x8a: {  	s6 =	sadd.s32 $0x40, s11;
	s18 =	simm.s32 $0x9400  }
0x8b: {  	[hbm4b:s6+s12] =	stream.strided.scatter [tilespmem:s18], [sflag:$0x9], $0x400, s16, s12, $0x38;
	[tilespmem:$0x18400] =	vst v63  }
0x8c: {  	s6 =	sadd.s32 $0x50, s11;
	s18 =	simm.s32 $0x9800  }
0x8d: {  	[hbm4b:s6+s12] =	stream.strided.scatter [tilespmem:s18], [sflag:$0x9], $0x400, s16, s12, $0x38;
	[tilespmem:$0x18400] =	vst v63  }
0x8e: {  	s6 =	sadd.s32 $0x60, s11;
	s18 =	simm.s32 $0x9C00  }
0x8f: {  	[hbm4b:s6+s12] =	stream.strided.scatter [tilespmem:s18], [sflag:$0x9], $0x400, s16, s12, $0x38;
	[tilespmem:$0x18400] =	vst v63  }
0x90: {  	s6 =	sadd.s32 $0x70, s11;
	s18 =	simm.s32 $0xA000  }
0x91: {  	[hbm4b:s6+s12] =	stream.strided.scatter [tilespmem:s18], [sflag:$0x9], $0x400, s16, s12, $0x38;
	[tilespmem:$0x18400] =	vst v63  }
0x92: {  	s6 =	sadd.s32 $0x400, s11;
	s18 =	simm.s32 $0xA400  }
0x93: {  	[hbm4b:s6+s12] =	stream.strided.scatter [tilespmem:s18], [sflag:$0x9], $0x400, s16, s12, $0x38;
	[tilespmem:$0x18400] =	vst v63  }
0x94: {  	s6 =	sadd.s32 $0x410, s11;
	s18 =	simm.s32 $0xA800  }
0x95: {  	[hbm4b:s6+s12] =	stream.strided.scatter [tilespmem:s18], [sflag:$0x9], $0x400, s16, s12, $0x38;
	[tilespmem:$0x18400] =	vst v63  }
0x96: {  	s6 =	sadd.s32 $0x420, s11;
	s18 =	simm.s32 $0xAC00  }
0x97: {  	[hbm4b:s6+s12] =	stream.strided.scatter [tilespmem:s18], [sflag:$0x9], $0x400, s16, s12, $0x38;
	[tilespmem:$0x18400] =	vst v63  }
0x98: {  	s6 =	sadd.s32 $0x430, s11;
	s18 =	simm.s32 $0xB000  }
0x99: {  	[hbm4b:s6+s12] =	stream.strided.scatter [tilespmem:s18], [sflag:$0x9], $0x400, s16, s12, $0x38;
	[tilespmem:$0x18400] =	vst v63  }
0x9a: {  	s6 =	sadd.s32 $0x440, s11;
	s18 =	simm.s32 $0xB400  }
0x9b: {  	[hbm4b:s6+s12] =	stream.strided.scatter [tilespmem:s18], [sflag:$0x9], $0x400, s16, s12, $0x38;
	[tilespmem:$0x18400] =	vst v63  }
0x9c: {  	s6 =	sadd.s32 $0x450, s11;
	s18 =	simm.s32 $0xB800  }
0x9d: {  	[hbm4b:s6+s12] =	stream.strided.scatter [tilespmem:s18], [sflag:$0x9], $0x400, s16, s12, $0x38;
	[tilespmem:$0x18400] =	vst v63  }
0x9e: {  	s6 =	sadd.s32 $0x460, s11;
	s18 =	simm.s32 $0xBC00  }
0x9f: {  	[hbm4b:s6+s12] =	stream.strided.scatter [tilespmem:s18], [sflag:$0x9], $0x400, s16, s12, $0x38;
	[tilespmem:$0x18400] =	vst v63  }
0xa0: {  	s6 =	sadd.s32 $0x470, s11;
	s18 =	simm.s32 $0xC000  }
0xa1: {  	[hbm4b:s6+s12] =	stream.strided.scatter [tilespmem:s18], [sflag:$0x9], $0x400, s16, s12, $0x38;
	[tilespmem:$0x18400] =	vst v63  }
0xa2: {  	_ =	swait.ge [sflag:s2], $0x4000  }
0xa3: {  	[sflag:s2] =	ssyncset.done $0x0  }
0xa4: {  	s5 =	sadd.s32 @!p0 $0x80, s5;
	s6 =	simm.s32 @!p0 $0x8400;
	[sflag:s2] =	ssyncadd.s32 $0xFFFFC000  }
0xa5: {  	[tilespmem:s6], [sflag:$0x3] =	stream.indirect.gather @!p0 [hbm4b:s1+s0], $0x400, s5, s0, $0xb8;
	[tilespmem:$0x18400] =	vst v63  }
0xa6: {  	_ =	swait.ge [sflag:s13], $0x4000  }
0xa7: {  	[sflag:s13] =	ssyncset.done $0x0  }
0xa8: {  	[sflag:s13] =	ssyncadd.s32 $0xFFFFC000  }
0xa9: {  	[hbm4b:s3+s12] =	stream.strided.scatter [tilespmem:s21], [sflag:$0xA], $0x400, s16, s12, $0x38;
	[tilespmem:$0x18400] =	vst v63  }
0xaa: {  	s18 =	simm.s32 $0xC800;
	s6 =	sadd.s32 $0x10, s3  }
0xab: {  	[hbm4b:s6+s12] =	stream.strided.scatter [tilespmem:s18], [sflag:$0xA], $0x400, s16, s12, $0x38;
	[tilespmem:$0x18400] =	vst v63  }
0xac: {  	s6 =	sadd.s32 $0x20, s3;
	s18 =	simm.s32 $0xCC00  }
0xad: {  	[hbm4b:s6+s12] =	stream.strided.scatter [tilespmem:s18], [sflag:$0xA], $0x400, s16, s12, $0x38;
	[tilespmem:$0x18400] =	vst v63  }
0xae: {  	s6 =	sadd.s32 $0x30, s3;
	s18 =	simm.s32 $0xD000  }
0xaf: {  	[hbm4b:s6+s12] =	stream.strided.scatter [tilespmem:s18], [sflag:$0xA], $0x400, s16, s12, $0x38;
	[tilespmem:$0x18400] =	vst v63  }
0xb0: {  	s6 =	sadd.s32 $0x40, s3;
	s18 =	simm.s32 $0xD400  }
0xb1: {  	[hbm4b:s6+s12] =	stream.strided.scatter [tilespmem:s18], [sflag:$0xA], $0x400, s16, s12, $0x38;
	[tilespmem:$0x18400] =	vst v63  }
0xb2: {  	s6 =	sadd.s32 $0x50, s3;
	s18 =	simm.s32 $0xD800  }
0xb3: {  	[hbm4b:s6+s12] =	stream.strided.scatter [tilespmem:s18], [sflag:$0xA], $0x400, s16, s12, $0x38;
	[tilespmem:$0x18400] =	vst v63  }
0xb4: {  	s6 =	sadd.s32 $0x60, s3;
	s18 =	simm.s32 $0xDC00  }
0xb5: {  	[hbm4b:s6+s12] =	stream.strided.scatter [tilespmem:s18], [sflag:$0xA], $0x400, s16, s12, $0x38;
	[tilespmem:$0x18400] =	vst v63  }
0xb6: {  	s6 =	sadd.s32 $0x70, s3;
	s18 =	simm.s32 $0xE000  }
0xb7: {  	[hbm4b:s6+s12] =	stream.strided.scatter [tilespmem:s18], [sflag:$0xA], $0x400, s16, s12, $0x38;
	[tilespmem:$0x18400] =	vst v63  }
0xb8: {  	s6 =	sadd.s32 $0x400, s3;
	s18 =	simm.s32 $0xE400  }
0xb9: {  	[hbm4b:s6+s12] =	stream.strided.scatter [tilespmem:s18], [sflag:$0xA], $0x400, s16, s12, $0x38;
	[tilespmem:$0x18400] =	vst v63  }
0xba: {  	s6 =	sadd.s32 $0x410, s3;
	s18 =	simm.s32 $0xE800  }
0xbb: {  	[hbm4b:s6+s12] =	stream.strided.scatter [tilespmem:s18], [sflag:$0xA], $0x400, s16, s12, $0x38;
	[tilespmem:$0x18400] =	vst v63  }
0xbc: {  	s6 =	sadd.s32 $0x420, s3;
	s18 =	simm.s32 $0xEC00  }
0xbd: {  	[hbm4b:s6+s12] =	stream.strided.scatter [tilespmem:s18], [sflag:$0xA], $0x400, s16, s12, $0x38;
	[tilespmem:$0x18400] =	vst v63  }
0xbe: {  	s6 =	sadd.s32 $0x430, s3;
	s18 =	simm.s32 $0xF000  }
0xbf: {  	[hbm4b:s6+s12] =	stream.strided.scatter [tilespmem:s18], [sflag:$0xA], $0x400, s16, s12, $0x38;
	[tilespmem:$0x18400] =	vst v63  }
0xc0: {  	s6 =	sadd.s32 $0x440, s3;
	s18 =	simm.s32 $0xF400  }
0xc1: {  	[hbm4b:s6+s12] =	stream.strided.scatter [tilespmem:s18], [sflag:$0xA], $0x400, s16, s12, $0x38;
	[tilespmem:$0x18400] =	vst v63  }
0xc2: {  	s6 =	sadd.s32 $0x450, s3;
	s18 =	simm.s32 $0xF800  }
0xc3: {  	[hbm4b:s6+s12] =	stream.strided.scatter [tilespmem:s18], [sflag:$0xA], $0x400, s16, s12, $0x38;
	[tilespmem:$0x18400] =	vst v63  }
0xc4: {  	s6 =	sadd.s32 $0x460, s3;
	s18 =	simm.s32 $0xFC00  }
0xc5: {  	[hbm4b:s6+s12] =	stream.strided.scatter [tilespmem:s18], [sflag:$0xA], $0x400, s16, s12, $0x38;
	[tilespmem:$0x18400] =	vst v63  }
.Ltmp2:
0xc6: {  	s6 =	sadd.s32 $0x470, s3;
	s18 =	simm.s32 $0x10000;
	(pc) =	sbr.rel @p0 .LBB2_4-.Ltmp2, $4  }
0xc7: {  	[hbm4b:s6+s12] =	stream.strided.scatter [tilespmem:s18], [sflag:$0xA], $0x400, s16, s12, $0x38;
	[tilespmem:$0x18400] =	vst v63  }
0xc8: {  	_ =	swait.ge [sflag:s29], $0x4000  }
0xc9: {  	[sflag:s29] =	ssyncset.done $0x0  }
0xca: {  	[sflag:s29] =	ssyncadd.s32 $0xFFFFC000  }
0xcb: {  	s0 =	sshra.s32 s28, $0x2  }
0xcc: {  	s0 =	sadd.s32 $0x90, s0  }
0xcd: {  	[tilespmem:s21], [sflag:$0x4] =	stream.indirect.gather [hbm4b:s1+s15], $0x400, s0, s15, $0xb8;
	[tilespmem:$0x18400] =	vst v63  }
0xce: {  	_ =	swait.ge [sflag:s30], $0x4000  }
0xcf: {  	[sflag:s30] =	ssyncset.done $0x0  }
0xd0: {  	s6 =	simm.s32 $0x10400;
	[sflag:s30] =	ssyncadd.s32 $0xFFFFC000  }
0xd1: {  	[hbm4b:s14+s12] =	stream.strided.scatter [tilespmem:s6], [sflag:$0xB], $0x400, s16, s12, $0x38;
	[tilespmem:$0x18400] =	vst v63  }
0xd2: {  	s18 =	sadd.s32 $0x10, s14;
	s5 =	simm.s32 $0x10800  }
0xd3: {  	[hbm4b:s18+s12] =	stream.strided.scatter [tilespmem:s5], [sflag:$0xB], $0x400, s16, s12, $0x38;
	[tilespmem:$0x18400] =	vst v63  }
0xd4: {  	s6 =	sadd.s32 $0x20, s14;
	s18 =	simm.s32 $0x10C00  }
0xd5: {  	[hbm4b:s6+s12] =	stream.strided.scatter [tilespmem:s18], [sflag:$0xB], $0x400, s16, s12, $0x38;
	[tilespmem:$0x18400] =	vst v63  }
0xd6: {  	s6 =	sadd.s32 $0x30, s14;
	s18 =	simm.s32 $0x11000  }
0xd7: {  	[hbm4b:s6+s12] =	stream.strided.scatter [tilespmem:s18], [sflag:$0xB], $0x400, s16, s12, $0x38;
	[tilespmem:$0x18400] =	vst v63  }
0xd8: {  	s6 =	sadd.s32 $0x40, s14;
	s18 =	simm.s32 $0x11400  }
0xd9: {  	[hbm4b:s6+s12] =	stream.strided.scatter [tilespmem:s18], [sflag:$0xB], $0x400, s16, s12, $0x38;
	[tilespmem:$0x18400] =	vst v63  }
0xda: {  	s6 =	sadd.s32 $0x50, s14;
	s18 =	simm.s32 $0x11800  }
0xdb: {  	[hbm4b:s6+s12] =	stream.strided.scatter [tilespmem:s18], [sflag:$0xB], $0x400, s16, s12, $0x38;
	[tilespmem:$0x18400] =	vst v63  }
0xdc: {  	s6 =	sadd.s32 $0x60, s14;
	s18 =	simm.s32 $0x11C00  }
0xdd: {  	[hbm4b:s6+s12] =	stream.strided.scatter [tilespmem:s18], [sflag:$0xB], $0x400, s16, s12, $0x38;
	[tilespmem:$0x18400] =	vst v63  }
0xde: {  	s6 =	sadd.s32 $0x70, s14;
	s18 =	simm.s32 $0x12000  }
0xdf: {  	[hbm4b:s6+s12] =	stream.strided.scatter [tilespmem:s18], [sflag:$0xB], $0x400, s16, s12, $0x38;
	[tilespmem:$0x18400] =	vst v63  }
0xe0: {  	s6 =	sadd.s32 $0x400, s14;
	s18 =	simm.s32 $0x12400  }
0xe1: {  	[hbm4b:s6+s12] =	stream.strided.scatter [tilespmem:s18], [sflag:$0xB], $0x400, s16, s12, $0x38;
	[tilespmem:$0x18400] =	vst v63  }
0xe2: {  	s6 =	sadd.s32 $0x410, s14;
	s18 =	simm.s32 $0x12800  }
0xe3: {  	[hbm4b:s6+s12] =	stream.strided.scatter [tilespmem:s18], [sflag:$0xB], $0x400, s16, s12, $0x38;
	[tilespmem:$0x18400] =	vst v63  }
0xe4: {  	s6 =	sadd.s32 $0x420, s14;
	s18 =	simm.s32 $0x12C00  }
0xe5: {  	[hbm4b:s6+s12] =	stream.strided.scatter [tilespmem:s18], [sflag:$0xB], $0x400, s16, s12, $0x38;
	[tilespmem:$0x18400] =	vst v63  }
0xe6: {  	s6 =	sadd.s32 $0x430, s14;
	s18 =	simm.s32 $0x13000  }
0xe7: {  	[hbm4b:s6+s12] =	stream.strided.scatter [tilespmem:s18], [sflag:$0xB], $0x400, s16, s12, $0x38;
	[tilespmem:$0x18400] =	vst v63  }
0xe8: {  	s6 =	sadd.s32 $0x440, s14;
	s18 =	simm.s32 $0x13400  }
0xe9: {  	[hbm4b:s6+s12] =	stream.strided.scatter [tilespmem:s18], [sflag:$0xB], $0x400, s16, s12, $0x38;
	[tilespmem:$0x18400] =	vst v63  }
0xea: {  	s6 =	sadd.s32 $0x450, s14;
	s18 =	simm.s32 $0x13800  }
0xeb: {  	[hbm4b:s6+s12] =	stream.strided.scatter [tilespmem:s18], [sflag:$0xB], $0x400, s16, s12, $0x38;
	[tilespmem:$0x18400] =	vst v63  }
0xec: {  	s6 =	sadd.s32 $0x460, s14;
	s18 =	simm.s32 $0x13C00  }
0xed: {  	[hbm4b:s6+s12] =	stream.strided.scatter [tilespmem:s18], [sflag:$0xB], $0x400, s16, s12, $0x38;
	[tilespmem:$0x18400] =	vst v63  }
0xee: {  	s5 =	sadd.s32 $0x470, s14;
	s6 =	simm.s32 $0x14000  }
0xef: {  	[hbm4b:s5+s12] =	stream.strided.scatter [tilespmem:s6], [sflag:$0xB], $0x400, s16, s12, $0x38;
	[tilespmem:$0x18400] =	vst v63  }
0xf0: {  	p0 =	sgt.u32 s31, $0x8;
	_ =	swait.ge [sflag:s20], $0x4000  }
0xf1: {  	s0 =	sshra.s32 @!p0 s28, $0x2;
	s18 =	simm.s32 @!p0 $0x10400;
	[sflag:s20] =	ssyncset.done $0x0  }
0xf2: {  	s5 =	sadd.s32 @!p0 $0xA0, s0;
	s6 =	simm.s32 @!p0 $0x10;
	[sflag:s20] =	ssyncadd.s32 $0xFFFFC000  }
0xf3: {  	[tilespmem:s18], [sflag:$0x5] =	stream.indirect.gather @!p0 [hbm4b:s1+s6], $0x400, s5, s6, $0xb8;
	[tilespmem:$0x18400] =	vst v63  }
0xf4: {  	_ =	swait.ge [sflag:s9], $0x4000  }
0xf5: {  	[sflag:s9] =	ssyncset.done $0x0  }
0xf6: {  	s18 =	simm.s32 $0x14400;
	[sflag:s9] =	ssyncadd.s32 $0xFFFFC000  }
0xf7: {  	[hbm4b:s4+s12] =	stream.strided.scatter [tilespmem:s18], [sflag:$0xC], $0x400, s16, s12, $0x38;
	[tilespmem:$0x18400] =	vst v63  }
0xf8: {  	s5 =	sadd.s32 $0x10, s4;
	s18 =	simm.s32 $0x14800  }
0xf9: {  	[hbm4b:s5+s12] =	stream.strided.scatter [tilespmem:s18], [sflag:$0xC], $0x400, s16, s12, $0x38;
	[tilespmem:$0x18400] =	vst v63  }
0xfa: {  	s5 =	sadd.s32 $0x20, s4;
	s18 =	simm.s32 $0x14C00  }
0xfb: {  	[hbm4b:s5+s12] =	stream.strided.scatter [tilespmem:s18], [sflag:$0xC], $0x400, s16, s12, $0x38;
	[tilespmem:$0x18400] =	vst v63  }
0xfc: {  	s5 =	sadd.s32 $0x30, s4;
	s18 =	simm.s32 $0x15000  }
0xfd: {  	[hbm4b:s5+s12] =	stream.strided.scatter [tilespmem:s18], [sflag:$0xC], $0x400, s16, s12, $0x38;
	[tilespmem:$0x18400] =	vst v63  }
0xfe: {  	s5 =	sadd.s32 $0x40, s4;
	s18 =	simm.s32 $0x15400  }
0xff: {  	[hbm4b:s5+s12] =	stream.strided.scatter [tilespmem:s18], [sflag:$0xC], $0x400, s16, s12, $0x38;
	[tilespmem:$0x18400] =	vst v63  }
0x100: {  	s5 =	sadd.s32 $0x50, s4;
	s18 =	simm.s32 $0x15800  }
0x101: {  	[hbm4b:s5+s12] =	stream.strided.scatter [tilespmem:s18], [sflag:$0xC], $0x400, s16, s12, $0x38;
	[tilespmem:$0x18400] =	vst v63  }
0x102: {  	s5 =	sadd.s32 $0x60, s4;
	s18 =	simm.s32 $0x15C00  }
0x103: {  	[hbm4b:s5+s12] =	stream.strided.scatter [tilespmem:s18], [sflag:$0xC], $0x400, s16, s12, $0x38;
	[tilespmem:$0x18400] =	vst v63  }
0x104: {  	s5 =	sadd.s32 $0x70, s4;
	s18 =	simm.s32 $0x16000  }
0x105: {  	[hbm4b:s5+s12] =	stream.strided.scatter [tilespmem:s18], [sflag:$0xC], $0x400, s16, s12, $0x38;
	[tilespmem:$0x18400] =	vst v63  }
0x106: {  	s5 =	sadd.s32 $0x400, s4;
	s18 =	simm.s32 $0x16400  }
0x107: {  	[hbm4b:s5+s12] =	stream.strided.scatter [tilespmem:s18], [sflag:$0xC], $0x400, s16, s12, $0x38;
	[tilespmem:$0x18400] =	vst v63  }
0x108: {  	s5 =	sadd.s32 $0x410, s4;
	s18 =	simm.s32 $0x16800  }
0x109: {  	[hbm4b:s5+s12] =	stream.strided.scatter [tilespmem:s18], [sflag:$0xC], $0x400, s16, s12, $0x38;
	[tilespmem:$0x18400] =	vst v63  }
0x10a: {  	s5 =	sadd.s32 $0x420, s4;
	s18 =	simm.s32 $0x16C00  }
0x10b: {  	[hbm4b:s5+s12] =	stream.strided.scatter [tilespmem:s18], [sflag:$0xC], $0x400, s16, s12, $0x38;
	[tilespmem:$0x18400] =	vst v63  }
0x10c: {  	s5 =	sadd.s32 $0x430, s4;
	s18 =	simm.s32 $0x17000  }
0x10d: {  	[hbm4b:s5+s12] =	stream.strided.scatter [tilespmem:s18], [sflag:$0xC], $0x400, s16, s12, $0x38;
	[tilespmem:$0x18400] =	vst v63  }
0x10e: {  	s5 =	sadd.s32 $0x440, s4;
	s18 =	simm.s32 $0x17400  }
0x10f: {  	[hbm4b:s5+s12] =	stream.strided.scatter [tilespmem:s18], [sflag:$0xC], $0x400, s16, s12, $0x38;
	[tilespmem:$0x18400] =	vst v63  }
0x110: {  	s5 =	sadd.s32 $0x450, s4;
	s18 =	simm.s32 $0x17800  }
0x111: {  	[hbm4b:s5+s12] =	stream.strided.scatter [tilespmem:s18], [sflag:$0xC], $0x400, s16, s12, $0x38;
	[tilespmem:$0x18400] =	vst v63  }
0x112: {  	s18 =	sadd.s32 $0x460, s4  }
0x113: {  	[hbm4b:s18+s12] =	stream.strided.scatter [tilespmem:s17], [sflag:$0xC], $0x400, s16, s12, $0x38;
	[tilespmem:$0x18400] =	vst v63  }
0x114: {  	s18 =	sadd.s32 $0x470, s4  }
0x115: {  	[hbm4b:s18+s12] =	stream.strided.scatter [tilespmem:s19], [sflag:$0xC], $0x400, s16, s12, $0x38;
	[tilespmem:$0x18400] =	vst v63  }
0x116: {  	_ =	swait.ge [sflag:s23], $0x4000  }
0x117: {  	s28 =	sadd.s32 $0x180, s28;
	[sflag:s23] =	ssyncset.done $0x0  }
0x118: {  	s0 =	sadd.s32 @!p0 $0xB0, s0;
	s5 =	simm.s32 @!p0 $0x14400;
	[sflag:s23] =	ssyncadd.s32 $0xFFFFC000  }
0x119: {  	[tilespmem:s5], [sflag:$0x6] =	stream.indirect.gather @!p0 [hbm4b:s1+s6], $0x400, s0, s6, $0xb8;
	[tilespmem:$0x18400] =	vst v63  }
0x11a: {  	p0 =	sne.s32 s28, $0x1080  }
.Ltmp3:
0x11b: {  	_ = 	snop;
	(pc) =	sbr.rel @p0 .LBB2_2-.Ltmp3, $4  }
.Ltmp4:
0x11c: {  	_ = 	snop;
	(pc) =	sbr.rel @!p0 .LBB2_4-.Ltmp4, $4  }
0x11d: {  	s31 =	sadd.s32 $0x1, s31  }
0x11e: {  	s3 =	sadd.s32 $0x3000, s3;
	s11 =	sadd.s32 $0x3000, s11;
	s22 =	sadd.s32 $0x3000, s22  }
0x11f: {  	s10 =	sadd.s32 $0x3000, s10;
	s14 =	sadd.s32 $0x3000, s14;
	s4 =	sadd.s32 $0x3000, s4  }
0x120: {  	_ = 	snop  }
.LBB2_5:
0x121: {  	_ =	sfence.sel $0x180000  }
0x122: {  	[bflag:$0x0] =	sbarrier.arrive $0xFFFF  }
0x123: {  	_ =	strace $0x90000047  }
0x124: {  	s0 =	stileid.u32;
	[bflag:$0x2] =	sbarrier.arrive $0xFFFF  }
0x125: {  	p0 =	sne.s32 s0, $0x0;
	s0 =	rddreg [dreg:$0x3]  }
0x126: {  	s0 =	sadd.s32 @!p0 $0x100000, s0  }
0x127: {  	[sflag:s0] =	ssyncadd.tile.s32 @!p0 $0x1;
	_ =	shalt  }
.Lfunc_end2:
_tile_overlayer_lowered:
.L_overlay_start_2:
0x128: {  	(tag) =	ssettag $0x2  }
0x129: {  	s0 =	rddreg [dreg:$0x0];
	s2 =	stileid.u32  }
0x12a: {  	s1 =	rddreg [dreg:$0x1];
	p0 =	sne.s32 s2, $0x0  }
0x12b: {  	s3 =	rddreg [dreg:$0x2];
	[bflag:$0x3] =	sbarrier.arrive $0xFFFF;
	s2 =	simm.s32 @!p0 $0x1C0D  }
0x12c: {  	[timem:s3], [sflag:s2] =	dma.local @!p0 [hbm:s0], s1  }
0x12d: {  	s0 =	simm.s32 @!p0 $0xD  }
0x12e: {  	_ =	swait.ge @!p0 [sflag:s0], s1  }
0x12f: {  	s1 =	ssub.s32 @!p0 $0x0, s1;
	[sflag:s0] =	ssyncset.done @!p0 $0x0  }
0x130: {  	[sflag:s0] =	ssyncadd.s32 @!p0 s1  }
0x131: {  	[bflag:$0x3] =	sbarrier.arrive $0xFFFF  }
0x132: {  	_ =	shalt  }

</sc_bundles>
